<compile_context>
chip_gen: v7x
topology: tpu7x:2x2x1
jax: 0.10.2.dev20260603
libtpu: 0.0.44.dev20260713+nightly
codegen_flags: <defaults>
</compile_context>

<pallas_src>
import functools

import jax
import jax.numpy as jnp
from jax import lax
from jax.experimental import pallas as pl
from jax.experimental.pallas import tpu as pltpu, tpu_sc as plsc

NC = 2
NS = 16
NW = NC * NS
C = 128
NBUF = 4

_SC_PARAMS = pltpu.CompilerParams(
    needs_layout_passes=False, use_tc_tiling_on_sc=False)


def _pad_chunks(arr, workers, fill, nbuf=NBUF):
    e = arr.shape[0]
    ept = e // workers
    k = -(-(-(-ept // C)) // nbuf) * nbuf
    kt = k + nbuf
    pad = kt * C - ept
    out = jnp.concatenate(
        [arr.reshape(workers, ept),
         jnp.full((workers, pad), fill, jnp.int32)], axis=1)
    return out.reshape(workers, kt, C), k


def _make_hist_kernel(n_pad, k):
    mesh = plsc.VectorSubcoreMesh(core_axis_name="c", subcore_axis_name="s")

    @functools.partial(
        pl.kernel,
        out_type=jax.ShapeDtypeStruct((NW, n_pad), jnp.float32),
        mesh=mesh,
        scratch_types=[
            pltpu.VMEM((n_pad,), jnp.float32),
            pltpu.VMEM((k, C), jnp.int32),
        ],
        compiler_params=_SC_PARAMS,
    )
    def hist_kernel(dst_hbm, out_hbm, hist_v, idx_v):
        cid = lax.axis_index("c")
        sid = lax.axis_index("s")
        wid = sid * NC + cid

        pltpu.sync_copy(dst_hbm.at[wid, pl.ds(0, k)], idx_v)

        def zero_body(i, _):
            hist_v[pl.ds(i * 16, 16)] = jnp.zeros((16,), jnp.float32)
            return 0

        lax.fori_loop(0, n_pad // 16, zero_body, 0)

        ones = jnp.ones((16,), jnp.float32)

        def chunk_body(kk, _):
            for j in range(C // 16):
                iv = idx_v[kk, pl.ds(j * 16, 16)]
                plsc.addupdate_scatter(hist_v, [iv], ones)
            return 0

        lax.fori_loop(0, k, chunk_body, 0)
        pltpu.sync_copy(hist_v, out_hbm.at[wid])

    return hist_kernel


def _make_prop_kernel(n_pad, k, feat, feature_split, nbuf=NBUF):
    mesh = plsc.VectorSubcoreMesh(core_axis_name="c", subcore_axis_name="s")
    rz = n_pad // NS
    H = nbuf // 2
    NH = nbuf - H

    @functools.partial(
        pl.kernel,
        out_type=jax.ShapeDtypeStruct((NC, n_pad, feat), jnp.float32),
        mesh=mesh,
        scratch_types=[
            pltpu.VMEM((k + nbuf, C), jnp.int32),
            pltpu.VMEM((k + nbuf, C), jnp.int32),
            [pltpu.VMEM((C, feat), jnp.float32) for _ in range(nbuf)],
            [pltpu.SemaphoreType.DMA for _ in range(nbuf)],
            [pltpu.SemaphoreType.DMA for _ in range(nbuf)],
            pltpu.VMEM_SHARED((n_pad, feat), jnp.float32),
        ],
        compiler_params=_SC_PARAMS,
    )
    def prop_kernel(src_hbm, dst_hbm, table_hbm, zeros_hbm, out_hbm,
                    idx_s, idx_d, rows, sem_g, sem_s, acc_sh):
        cid = lax.axis_index("c")
        sid = lax.axis_index("s")

        if feature_split:
            pltpu.sync_copy(src_hbm.at[cid, sid], idx_s)
            pltpu.sync_copy(dst_hbm.at[sid], idx_d)
        else:
            wid = sid * NC + cid
            pltpu.sync_copy(src_hbm.at[wid], idx_s)
            pltpu.sync_copy(dst_hbm.at[wid], idx_d)
        for b in range(H):
            pltpu.async_copy(table_hbm.at[idx_s.at[b]], rows[b], sem_g[b])
        pltpu.sync_copy(zeros_hbm.at[pl.ds(sid * rz, rz)],
                        acc_sh.at[pl.ds(sid * rz, rz)])
        plsc.subcore_barrier()

        def stage(kk, b, skip_scatter_wait=False):
            bn = (b + H) % nbuf
            pltpu.make_async_copy(
                table_hbm.at[idx_s.at[kk]], rows[b], sem_g[b]).wait()
            pltpu.async_copy(rows[b], acc_sh.at[idx_d.at[kk]], sem_s[b],
                             add=True)
            if not skip_scatter_wait:
                pltpu.make_async_copy(
                    rows[bn], acc_sh.at[idx_d.at[0]], sem_s[bn]).wait()
            pltpu.async_copy(
                table_hbm.at[idx_s.at[kk + H]], rows[bn], sem_g[bn])

        for b in range(nbuf):
            stage(b, b, skip_scatter_wait=b < NH)

        def group_body(g, _):
            for b in range(nbuf):
                stage(g * nbuf + b, b)
            return 0

        lax.fori_loop(1, k // nbuf, group_body, 0)
        for j in range(NH):
            bs = (k - NH + j) % nbuf
            pltpu.make_async_copy(
                rows[bs], acc_sh.at[idx_d.at[0]], sem_s[bs]).wait()
        for j in range(H):
            bg = (k + j) % nbuf
            pltpu.make_async_copy(
                table_hbm.at[idx_s.at[k + j]], rows[bg], sem_g[bg]).wait()
        plsc.subcore_barrier()
        pltpu.sync_copy(acc_sh.at[pl.ds(sid * rz, rz)],
                        out_hbm.at[cid, pl.ds(sid * rz, rz)])

    return prop_kernel


def _xs_body(hist_ref, x_ref, o_ref, d_ref):
    deg = jnp.sum(hist_ref[...], axis=1) + 1.0
    dinv = lax.rsqrt(deg)
    xs = x_ref[...] * dinv[:, None]
    fh = xs.shape[1] // 2
    o_ref[0] = xs[:, :fh]
    o_ref[1] = xs[:, fh:]
    d_ref[...] = jnp.broadcast_to(dinv[:, None], d_ref.shape)


def _mid_body(d_ref, part_ref, xs_ref, w1_ref, b1_ref, w2_ref, o_ref):
    dinv = d_ref[...][:, 0]
    agg = jnp.concatenate([part_ref[0] + xs_ref[0], part_ref[1] + xs_ref[1]],
                          axis=1)
    p1 = dinv[:, None] * agg
    h = jnp.maximum(
        jnp.dot(p1, w1_ref[...], preferred_element_type=jnp.float32)
        + b1_ref[0:1, :], 0.0)
    g = jnp.dot(h, w2_ref[...], preferred_element_type=jnp.float32)
    o_ref[...] = g * dinv[:, None]


def _final_body(d_ref, part_ref, gs_ref, b2_ref, o_ref):
    dinv = d_ref[...][:, 0]
    o_ref[...] = dinv[:, None] * (part_ref[0] + part_ref[1] + gs_ref[...]) \
        + b2_ref[0:1, :]


def kernel(x, edge_index, W1, b1, W2, b2):
    n, d_in = x.shape
    d_hid = W1.shape[1]
    n_cls = W2.shape[1]
    fh = d_in // 2
    src = edge_index[0]
    dst = edge_index[1]

    n_pad = -(-(n + 1) // 128) * 128

    src32, k32 = _pad_chunks(src, NW, 0)
    dst32, _ = _pad_chunks(dst, NW, n)
    nb1 = 5
    src16, k16 = _pad_chunks(src, NS, 0, nb1)
    dst16, _ = _pad_chunks(dst, NS, n, nb1)
    src16sc = jnp.stack([src16, src16 + n])

    hist = _make_hist_kernel(n_pad, k32)(dst32)
    hist_n = hist[:, :n].T

    br = 2000
    grid = (n // br,)
    hist_spec = pl.BlockSpec((br, NW), lambda i: (i, 0))
    row_spec = lambda f: pl.BlockSpec((br, f), lambda i: (i, 0))
    part_spec = lambda f: pl.BlockSpec((NC, br, f), lambda i: (0, i, 0))

    xs2, dinv8 = pl.pallas_call(
        _xs_body,
        grid=grid,
        in_specs=[hist_spec, row_spec(d_in)],
        out_specs=[part_spec(fh), row_spec(8)],
        out_shape=[jax.ShapeDtypeStruct((NC, n, fh), jnp.float32),
                   jax.ShapeDtypeStruct((n, 8), jnp.float32)],
    )(hist_n, x)

    zeros_h = jnp.zeros((n_pad, fh), jnp.float32)
    part1 = _make_prop_kernel(n_pad, k16, fh, True, nb1)(
        src16sc, dst16, xs2.reshape(NC * n, fh), zeros_h)

    b1r = jnp.broadcast_to(b1[None, :], (8, d_hid))
    full = lambda shape: pl.BlockSpec(shape, lambda i: tuple(0 for _ in shape))
    gs = pl.pallas_call(
        _mid_body,
        grid=grid,
        in_specs=[row_spec(8), part_spec(fh), part_spec(fh),
                  full((d_in, d_hid)), full((8, d_hid)), full((d_hid, n_cls))],
        out_specs=row_spec(n_cls),
        out_shape=jax.ShapeDtypeStruct((n, n_cls), jnp.float32),
    )(dinv8, part1, xs2, W1, b1r, W2)

    zeros_cls = jnp.zeros((n_pad, n_cls), jnp.float32)
    part2 = _make_prop_kernel(n_pad, k32, n_cls, False)(
        src32, dst32, gs, zeros_cls)

    b2r = jnp.broadcast_to(b2[None, :], (8, n_cls))
    out = pl.pallas_call(
        _final_body,
        grid=grid,
        in_specs=[row_spec(8), part_spec(n_cls), row_spec(n_cls),
                  full((8, n_cls))],
        out_specs=row_spec(n_cls),
        out_shape=jax.ShapeDtypeStruct((n, n_cls), jnp.float32),
    )(dinv8, part2, gs, b2r)
    return out

# --- scband reference (transcript-rebuilt; emitter-appended) ---
"""Pipeline reference for scband-gnn-model-83365315215492 (READ-ONLY COPY).

The authoritative reference and input builder live on the scoring server;
editing this copy changes nothing except your own understanding.
"""

import jax, jax.numpy as jnp
import numpy as np

N = 10000
E = 320000
D_IN = 128
D_HID = 256
N_CLS = 16

def setup_inputs(seed: int = 0):
    key = jax.random.key(seed)
    k0, k1, k2, k3 = jax.random.split(key, 4)
    x = jax.random.normal(k0, (N, D_IN), dtype=jnp.float32)
    edge_index = jax.random.randint(k1, (2, E), 0, N, dtype=jnp.int32)
    W1 = jax.random.normal(k2, (D_IN, D_HID), dtype=jnp.float32) / np.sqrt(D_IN)
    b1 = jnp.zeros((D_HID,), dtype=jnp.float32)
    W2 = jax.random.normal(k3, (D_HID, N_CLS), dtype=jnp.float32) / np.sqrt(D_HID)
    b2 = jnp.zeros((N_CLS,), dtype=jnp.float32)
    return {"x": x, "edge_index": edge_index, "W1": W1, "b1": b1, "W2": W2, "b2": b2}

def _gcn_layer(x, src, dst, W, b):
    # GCNConv with added self-loops and symmetric normalization (PyG default)
    n = x.shape[0]
    loop = jnp.arange(n, dtype=src.dtype)
    s = jnp.concatenate([src, loop])
    d = jnp.concatenate([dst, loop])
    deg = jnp.zeros((n,), dtype=x.dtype).at[d].add(1.0)
    dinv = jnp.where(deg > 0, 1.0 / jnp.sqrt(deg), 0.0)
    norm = dinv[s] * dinv[d]
    h = x @ W
    msg = h[s] * norm[:, None]
    out = jnp.zeros((n, W.shape[1]), dtype=x.dtype).at[d].add(msg)
    return out + b

def reference(x, edge_index, W1, b1, W2, b2):
    # GnnModel.forward(..., logit=True): 2-layer GCN, dropout inactive (eval)
    src = edge_index[0]
    dst = edge_index[1]
    h = _gcn_layer(x, src, dst, W1, b1)
    h = jax.nn.relu(h)
    out = _gcn_layer(h, src, dst, W2, b2)
    return out

if __name__ == "__main__":
    import jax
    _d = setup_inputs()
    print(jax.jit(kernel)(*tuple(_d.values())))

</pallas_src>

<mosaic_0001>
#map = affine_map<(d0, d1) -> (0, 0, 0)>
#map1 = affine_map<(d0, d1) -> (0, 0)>
module attributes {stable_mosaic.version = 14 : i64} {
  func.func @prop_kernel(%arg0: i32, %arg1: i32, %arg2: memref<32x84x128xi32, #tpu.memory_space<hbm>>, %arg3: memref<32x84x128xi32, #tpu.memory_space<hbm>>, %arg4: memref<10000x16xf32, #tpu.memory_space<hbm>>, %arg5: memref<10112x16xf32, #tpu.memory_space<hbm>>, %arg6: memref<2x10112x16xf32, #tpu.memory_space<hbm>>, %arg7: memref<84x128xi32, #tpu.memory_space<vmem>>, %arg8: memref<84x128xi32, #tpu.memory_space<vmem>>, %arg9: memref<128x16xf32, #tpu.memory_space<vmem>>, %arg10: memref<128x16xf32, #tpu.memory_space<vmem>>, %arg11: memref<128x16xf32, #tpu.memory_space<vmem>>, %arg12: memref<128x16xf32, #tpu.memory_space<vmem>>, %arg13: memref<!tpu.dma_semaphore, #tpu.memory_space<semaphore_mem>>, %arg14: memref<!tpu.dma_semaphore, #tpu.memory_space<semaphore_mem>>, %arg15: memref<!tpu.dma_semaphore, #tpu.memory_space<semaphore_mem>>, %arg16: memref<!tpu.dma_semaphore, #tpu.memory_space<semaphore_mem>>, %arg17: memref<!tpu.dma_semaphore, #tpu.memory_space<semaphore_mem>>, %arg18: memref<!tpu.dma_semaphore, #tpu.memory_space<semaphore_mem>>, %arg19: memref<!tpu.dma_semaphore, #tpu.memory_space<semaphore_mem>>, %arg20: memref<!tpu.dma_semaphore, #tpu.memory_space<semaphore_mem>>, %arg21: memref<10112x16xf32, #tpu.memory_space<vmem_shared>>) attributes {dimension_semantics = [#tpu.dimension_semantics<core_parallel>, #tpu.dimension_semantics<subcore_parallel>], iteration_bounds = array<i64: 2, 16>, scalar_prefetch = 0 : i64, scratch_operands = 15 : i64, tpu.core_type = #tpu.core_type<sc_vector_subcore>, window_params = [{transform_indices = #map}, {transform_indices = #map}, {transform_indices = #map1}, {transform_indices = #map1}, {transform_indices = #map}]} {
    %mul3A = arith.constant 2 : i32
    %mul3A_0 = arith.muli %arg1, %mul3A : i32
    %add3A = arith.addi %mul3A_0, %arg0 : i32
    "tpu.region"() ({
      %run_scoped3A = tpu.sem_alloc : memref<!tpu.dma_semaphore, #tpu.memory_space<semaphore_mem>>
      %dma_start3A_154 = arith.constant 0 : i32
      %dma_start3A_155 = arith.constant 0 : i32
      %dma_start3A_156 = tpu.memref_slice %arg2[%add3A, %dma_start3A_154, %dma_start3A_155] : memref<32x84x128xi32, #tpu.memory_space<hbm>> -> memref<1x84x128xi32, #tpu.memory_space<hbm>>
      %dma_start3A_157 = tpu.memref_squeeze %dma_start3A_156 : memref<1x84x128xi32, #tpu.memory_space<hbm>> -> memref<84x128xi32, #tpu.memory_space<hbm>>
      %dma_start3A_158 = arith.constant 0 : i32
      %dma_start3A_159 = arith.constant 0 : i32
      %dma_start3A_160 = tpu.memref_slice %arg2[%add3A, %dma_start3A_158, %dma_start3A_159] : memref<32x84x128xi32, #tpu.memory_space<hbm>> -> memref<1x84x128xi32, #tpu.memory_space<hbm>>
      %dma_start3A_161 = tpu.memref_squeeze %dma_start3A_160 : memref<1x84x128xi32, #tpu.memory_space<hbm>> -> memref<84x128xi32, #tpu.memory_space<hbm>>
      tpu.enqueue_dma source(%dma_start3A_161 : memref<84x128xi32, #tpu.memory_space<hbm>>) target(%arg7 : memref<84x128xi32, #tpu.memory_space<vmem>>) target_semaphore(%run_scoped3A : memref<!tpu.dma_semaphore, #tpu.memory_space<semaphore_mem>>)
      %dma_wait3A_162 = arith.constant 0 : i32
      %dma_wait3A_163 = arith.constant 0 : i32
      %dma_wait3A_164 = tpu.memref_slice %arg2[%add3A, %dma_wait3A_162, %dma_wait3A_163] : memref<32x84x128xi32, #tpu.memory_space<hbm>> -> memref<1x84x128xi32, #tpu.memory_space<hbm>>
      %dma_wait3A_165 = tpu.memref_squeeze %dma_wait3A_164 : memref<1x84x128xi32, #tpu.memory_space<hbm>> -> memref<84x128xi32, #tpu.memory_space<hbm>>
      %dma_wait3A_166 = arith.constant 0 : i32
      %dma_wait3A_167 = arith.constant 0 : i32
      %dma_wait3A_168 = tpu.memref_slice %arg2[%add3A, %dma_wait3A_166, %dma_wait3A_167] : memref<32x84x128xi32, #tpu.memory_space<hbm>> -> memref<1x84x128xi32, #tpu.memory_space<hbm>>
      %dma_wait3A_169 = tpu.memref_squeeze %dma_wait3A_168 : memref<1x84x128xi32, #tpu.memory_space<hbm>> -> memref<84x128xi32, #tpu.memory_space<hbm>>
      tpu.wait_dma2 semaphore(%run_scoped3A : memref<!tpu.dma_semaphore, #tpu.memory_space<semaphore_mem>>) src(%dma_wait3A_169 : memref<84x128xi32, #tpu.memory_space<hbm>>) dst(%arg7 : memref<84x128xi32, #tpu.memory_space<vmem>>)
      tpu.yield
    }) : () -> ()
    "tpu.region"() ({
      %run_scoped3A = tpu.sem_alloc : memref<!tpu.dma_semaphore, #tpu.memory_space<semaphore_mem>>
      %dma_start3A_154 = arith.constant 0 : i32
      %dma_start3A_155 = arith.constant 0 : i32
      %dma_start3A_156 = tpu.memref_slice %arg3[%add3A, %dma_start3A_154, %dma_start3A_155] : memref<32x84x128xi32, #tpu.memory_space<hbm>> -> memref<1x84x128xi32, #tpu.memory_space<hbm>>
      %dma_start3A_157 = tpu.memref_squeeze %dma_start3A_156 : memref<1x84x128xi32, #tpu.memory_space<hbm>> -> memref<84x128xi32, #tpu.memory_space<hbm>>
      %dma_start3A_158 = arith.constant 0 : i32
      %dma_start3A_159 = arith.constant 0 : i32
      %dma_start3A_160 = tpu.memref_slice %arg3[%add3A, %dma_start3A_158, %dma_start3A_159] : memref<32x84x128xi32, #tpu.memory_space<hbm>> -> memref<1x84x128xi32, #tpu.memory_space<hbm>>
      %dma_start3A_161 = tpu.memref_squeeze %dma_start3A_160 : memref<1x84x128xi32, #tpu.memory_space<hbm>> -> memref<84x128xi32, #tpu.memory_space<hbm>>
      tpu.enqueue_dma source(%dma_start3A_161 : memref<84x128xi32, #tpu.memory_space<hbm>>) target(%arg8 : memref<84x128xi32, #tpu.memory_space<vmem>>) target_semaphore(%run_scoped3A : memref<!tpu.dma_semaphore, #tpu.memory_space<semaphore_mem>>)
      %dma_wait3A_162 = arith.constant 0 : i32
      %dma_wait3A_163 = arith.constant 0 : i32
      %dma_wait3A_164 = tpu.memref_slice %arg3[%add3A, %dma_wait3A_162, %dma_wait3A_163] : memref<32x84x128xi32, #tpu.memory_space<hbm>> -> memref<1x84x128xi32, #tpu.memory_space<hbm>>
      %dma_wait3A_165 = tpu.memref_squeeze %dma_wait3A_164 : memref<1x84x128xi32, #tpu.memory_space<hbm>> -> memref<84x128xi32, #tpu.memory_space<hbm>>
      %dma_wait3A_166 = arith.constant 0 : i32
      %dma_wait3A_167 = arith.constant 0 : i32
      %dma_wait3A_168 = tpu.memref_slice %arg3[%add3A, %dma_wait3A_166, %dma_wait3A_167] : memref<32x84x128xi32, #tpu.memory_space<hbm>> -> memref<1x84x128xi32, #tpu.memory_space<hbm>>
      %dma_wait3A_169 = tpu.memref_squeeze %dma_wait3A_168 : memref<1x84x128xi32, #tpu.memory_space<hbm>> -> memref<84x128xi32, #tpu.memory_space<hbm>>
      tpu.wait_dma2 semaphore(%run_scoped3A : memref<!tpu.dma_semaphore, #tpu.memory_space<semaphore_mem>>) src(%dma_wait3A_169 : memref<84x128xi32, #tpu.memory_space<hbm>>) dst(%arg8 : memref<84x128xi32, #tpu.memory_space<vmem>>)
      tpu.yield
    }) : () -> ()
    %dma_start3A = arith.constant 0 : i32
    %dma_start3A_1 = arith.constant 0 : i32
    %dma_start3A_2 = tpu.memref_slice %arg7[%dma_start3A, %dma_start3A_1] : memref<84x128xi32, #tpu.memory_space<vmem>> -> memref<1x128xi32, #tpu.memory_space<vmem>>
    %dma_start3A_3 = tpu.memref_squeeze %dma_start3A_2 : memref<1x128xi32, #tpu.memory_space<vmem>> -> memref<128xi32, #tpu.memory_space<vmem>>
    %dma_start3A_4 = arith.constant 0 : i32
    %dma_start3A_5 = arith.constant 0 : i32
    %dma_start3A_6 = tpu.memref_slice %arg4[%dma_start3A_4, %dma_start3A_5] : memref<10000x16xf32, #tpu.memory_space<hbm>> -> memref<10000x16xf32, #tpu.memory_space<hbm>>
    tpu.enqueue_indirect_dma source(%dma_start3A_6 : memref<10000x16xf32, #tpu.memory_space<hbm>>) target(%arg9 : memref<128x16xf32, #tpu.memory_space<vmem>>) offsets(%dma_start3A_3 : memref<128xi32, #tpu.memory_space<vmem>>) semaphore(%arg13 : memref<!tpu.dma_semaphore, #tpu.memory_space<semaphore_mem>>)
    %dma_start3A_7 = arith.constant 1 : i32
    %dma_start3A_8 = arith.constant 0 : i32
    %dma_start3A_9 = tpu.memref_slice %arg7[%dma_start3A_7, %dma_start3A_8] : memref<84x128xi32, #tpu.memory_space<vmem>> -> memref<1x128xi32, #tpu.memory_space<vmem>>
    %dma_start3A_10 = tpu.memref_squeeze %dma_start3A_9 : memref<1x128xi32, #tpu.memory_space<vmem>> -> memref<128xi32, #tpu.memory_space<vmem>>
    %dma_start3A_11 = arith.constant 0 : i32
    %dma_start3A_12 = arith.constant 0 : i32
    %dma_start3A_13 = tpu.memref_slice %arg4[%dma_start3A_11, %dma_start3A_12] : memref<10000x16xf32, #tpu.memory_space<hbm>> -> memref<10000x16xf32, #tpu.memory_space<hbm>>
    tpu.enqueue_indirect_dma source(%dma_start3A_13 : memref<10000x16xf32, #tpu.memory_space<hbm>>) target(%arg10 : memref<128x16xf32, #tpu.memory_space<vmem>>) offsets(%dma_start3A_10 : memref<128xi32, #tpu.memory_space<vmem>>) semaphore(%arg14 : memref<!tpu.dma_semaphore, #tpu.memory_space<semaphore_mem>>)
    %mul3A_14 = arith.constant 632 : i32
    %mul3A_15 = arith.muli %arg1, %mul3A_14 : i32
    %mul3A_16 = arith.constant 632 : i32
    %mul3A_17 = arith.muli %arg1, %mul3A_16 : i32
    "tpu.region"() ({
      %run_scoped3A = tpu.sem_alloc : memref<!tpu.dma_semaphore, #tpu.memory_space<semaphore_mem>>
      %dma_start3A_154 = arith.constant 0 : i32
      %dma_start3A_155 = tpu.memref_slice %arg21[%mul3A_17, %dma_start3A_154] : memref<10112x16xf32, #tpu.memory_space<vmem_shared>> -> memref<632x16xf32, #tpu.memory_space<vmem_shared>>
      %dma_start3A_156 = arith.constant 0 : i32
      %dma_start3A_157 = tpu.memref_slice %arg5[%mul3A_15, %dma_start3A_156] : memref<10112x16xf32, #tpu.memory_space<hbm>> -> memref<632x16xf32, #tpu.memory_space<hbm>>
      tpu.enqueue_dma source(%dma_start3A_157 : memref<632x16xf32, #tpu.memory_space<hbm>>) target(%dma_start3A_155 : memref<632x16xf32, #tpu.memory_space<vmem_shared>>) target_semaphore(%run_scoped3A : memref<!tpu.dma_semaphore, #tpu.memory_space<semaphore_mem>>)
      %dma_wait3A_158 = arith.constant 0 : i32
      %dma_wait3A_159 = tpu.memref_slice %arg21[%mul3A_17, %dma_wait3A_158] : memref<10112x16xf32, #tpu.memory_space<vmem_shared>> -> memref<632x16xf32, #tpu.memory_space<vmem_shared>>
      %dma_wait3A_160 = arith.constant 0 : i32
      %dma_wait3A_161 = tpu.memref_slice %arg5[%mul3A_15, %dma_wait3A_160] : memref<10112x16xf32, #tpu.memory_space<hbm>> -> memref<632x16xf32, #tpu.memory_space<hbm>>
      tpu.wait_dma2 semaphore(%run_scoped3A : memref<!tpu.dma_semaphore, #tpu.memory_space<semaphore_mem>>) src(%dma_wait3A_161 : memref<632x16xf32, #tpu.memory_space<hbm>>) dst(%dma_wait3A_159 : memref<632x16xf32, #tpu.memory_space<vmem_shared>>)
      tpu.yield
    }) : () -> ()
    %barrier3A = arith.constant 0 : index
    tpu.barrier barrier_id(%barrier3A)
    %dma_wait3A = arith.constant 0 : i32
    %dma_wait3A_18 = arith.constant 0 : i32
    %dma_wait3A_19 = tpu.memref_slice %arg7[%dma_wait3A, %dma_wait3A_18] : memref<84x128xi32, #tpu.memory_space<vmem>> -> memref<1x128xi32, #tpu.memory_space<vmem>>
    %dma_wait3A_20 = tpu.memref_squeeze %dma_wait3A_19 : memref<1x128xi32, #tpu.memory_space<vmem>> -> memref<128xi32, #tpu.memory_space<vmem>>
    %dma_wait3A_21 = arith.constant 0 : i32
    %dma_wait3A_22 = arith.constant 0 : i32
    %dma_wait3A_23 = tpu.memref_slice %arg4[%dma_wait3A_21, %dma_wait3A_22] : memref<10000x16xf32, #tpu.memory_space<hbm>> -> memref<10000x16xf32, #tpu.memory_space<hbm>>
    tpu.wait_indirect_dma semaphore(%arg13 : memref<!tpu.dma_semaphore, #tpu.memory_space<semaphore_mem>>) src(%dma_wait3A_23 : memref<10000x16xf32, #tpu.memory_space<hbm>>) dst(%arg9 : memref<128x16xf32, #tpu.memory_space<vmem>>)
    %dma_start3A_24 = arith.constant 0 : i32
    %dma_start3A_25 = arith.constant 0 : i32
    %dma_start3A_26 = tpu.memref_slice %arg8[%dma_start3A_24, %dma_start3A_25] : memref<84x128xi32, #tpu.memory_space<vmem>> -> memref<1x128xi32, #tpu.memory_space<vmem>>
    %dma_start3A_27 = tpu.memref_squeeze %dma_start3A_26 : memref<1x128xi32, #tpu.memory_space<vmem>> -> memref<128xi32, #tpu.memory_space<vmem>>
    %dma_start3A_28 = arith.constant 0 : i32
    %dma_start3A_29 = arith.constant 0 : i32
    %dma_start3A_30 = tpu.memref_slice %arg21[%dma_start3A_28, %dma_start3A_29] : memref<10112x16xf32, #tpu.memory_space<vmem_shared>> -> memref<10112x16xf32, #tpu.memory_space<vmem_shared>>
    tpu.enqueue_indirect_dma source(%arg9 : memref<128x16xf32, #tpu.memory_space<vmem>>) target(%dma_start3A_30 : memref<10112x16xf32, #tpu.memory_space<vmem_shared>>) offsets(%dma_start3A_27 : memref<128xi32, #tpu.memory_space<vmem>>) semaphore(%arg17 : memref<!tpu.dma_semaphore, #tpu.memory_space<semaphore_mem>>) {add = true}
    %dma_start3A_31 = arith.constant 2 : i32
    %dma_start3A_32 = arith.constant 0 : i32
    %dma_start3A_33 = tpu.memref_slice %arg7[%dma_start3A_31, %dma_start3A_32] : memref<84x128xi32, #tpu.memory_space<vmem>> -> memref<1x128xi32, #tpu.memory_space<vmem>>
    %dma_start3A_34 = tpu.memref_squeeze %dma_start3A_33 : memref<1x128xi32, #tpu.memory_space<vmem>> -> memref<128xi32, #tpu.memory_space<vmem>>
    %dma_start3A_35 = arith.constant 0 : i32
    %dma_start3A_36 = arith.constant 0 : i32
    %dma_start3A_37 = tpu.memref_slice %arg4[%dma_start3A_35, %dma_start3A_36] : memref<10000x16xf32, #tpu.memory_space<hbm>> -> memref<10000x16xf32, #tpu.memory_space<hbm>>
    tpu.enqueue_indirect_dma source(%dma_start3A_37 : memref<10000x16xf32, #tpu.memory_space<hbm>>) target(%arg11 : memref<128x16xf32, #tpu.memory_space<vmem>>) offsets(%dma_start3A_34 : memref<128xi32, #tpu.memory_space<vmem>>) semaphore(%arg15 : memref<!tpu.dma_semaphore, #tpu.memory_space<semaphore_mem>>)
    %dma_wait3A_38 = arith.constant 1 : i32
    %dma_wait3A_39 = arith.constant 0 : i32
    %dma_wait3A_40 = tpu.memref_slice %arg7[%dma_wait3A_38, %dma_wait3A_39] : memref<84x128xi32, #tpu.memory_space<vmem>> -> memref<1x128xi32, #tpu.memory_space<vmem>>
    %dma_wait3A_41 = tpu.memref_squeeze %dma_wait3A_40 : memref<1x128xi32, #tpu.memory_space<vmem>> -> memref<128xi32, #tpu.memory_space<vmem>>
    %dma_wait3A_42 = arith.constant 0 : i32
    %dma_wait3A_43 = arith.constant 0 : i32
    %dma_wait3A_44 = tpu.memref_slice %arg4[%dma_wait3A_42, %dma_wait3A_43] : memref<10000x16xf32, #tpu.memory_space<hbm>> -> memref<10000x16xf32, #tpu.memory_space<hbm>>
    tpu.wait_indirect_dma semaphore(%arg14 : memref<!tpu.dma_semaphore, #tpu.memory_space<semaphore_mem>>) src(%dma_wait3A_44 : memref<10000x16xf32, #tpu.memory_space<hbm>>) dst(%arg10 : memref<128x16xf32, #tpu.memory_space<vmem>>)
    %dma_start3A_45 = arith.constant 1 : i32
    %dma_start3A_46 = arith.constant 0 : i32
    %dma_start3A_47 = tpu.memref_slice %arg8[%dma_start3A_45, %dma_start3A_46] : memref<84x128xi32, #tpu.memory_space<vmem>> -> memref<1x128xi32, #tpu.memory_space<vmem>>
    %dma_start3A_48 = tpu.memref_squeeze %dma_start3A_47 : memref<1x128xi32, #tpu.memory_space<vmem>> -> memref<128xi32, #tpu.memory_space<vmem>>
    %dma_start3A_49 = arith.constant 0 : i32
    %dma_start3A_50 = arith.constant 0 : i32
    %dma_start3A_51 = tpu.memref_slice %arg21[%dma_start3A_49, %dma_start3A_50] : memref<10112x16xf32, #tpu.memory_space<vmem_shared>> -> memref<10112x16xf32, #tpu.memory_space<vmem_shared>>
    tpu.enqueue_indirect_dma source(%arg10 : memref<128x16xf32, #tpu.memory_space<vmem>>) target(%dma_start3A_51 : memref<10112x16xf32, #tpu.memory_space<vmem_shared>>) offsets(%dma_start3A_48 : memref<128xi32, #tpu.memory_space<vmem>>) semaphore(%arg18 : memref<!tpu.dma_semaphore, #tpu.memory_space<semaphore_mem>>) {add = true}
    %dma_start3A_52 = arith.constant 3 : i32
    %dma_start3A_53 = arith.constant 0 : i32
    %dma_start3A_54 = tpu.memref_slice %arg7[%dma_start3A_52, %dma_start3A_53] : memref<84x128xi32, #tpu.memory_space<vmem>> -> memref<1x128xi32, #tpu.memory_space<vmem>>
    %dma_start3A_55 = tpu.memref_squeeze %dma_start3A_54 : memref<1x128xi32, #tpu.memory_space<vmem>> -> memref<128xi32, #tpu.memory_space<vmem>>
    %dma_start3A_56 = arith.constant 0 : i32
    %dma_start3A_57 = arith.constant 0 : i32
    %dma_start3A_58 = tpu.memref_slice %arg4[%dma_start3A_56, %dma_start3A_57] : memref<10000x16xf32, #tpu.memory_space<hbm>> -> memref<10000x16xf32, #tpu.memory_space<hbm>>
    tpu.enqueue_indirect_dma source(%dma_start3A_58 : memref<10000x16xf32, #tpu.memory_space<hbm>>) target(%arg12 : memref<128x16xf32, #tpu.memory_space<vmem>>) offsets(%dma_start3A_55 : memref<128xi32, #tpu.memory_space<vmem>>) semaphore(%arg16 : memref<!tpu.dma_semaphore, #tpu.memory_space<semaphore_mem>>)
    %dma_wait3A_59 = arith.constant 2 : i32
    %dma_wait3A_60 = arith.constant 0 : i32
    %dma_wait3A_61 = tpu.memref_slice %arg7[%dma_wait3A_59, %dma_wait3A_60] : memref<84x128xi32, #tpu.memory_space<vmem>> -> memref<1x128xi32, #tpu.memory_space<vmem>>
    %dma_wait3A_62 = tpu.memref_squeeze %dma_wait3A_61 : memref<1x128xi32, #tpu.memory_space<vmem>> -> memref<128xi32, #tpu.memory_space<vmem>>
    %dma_wait3A_63 = arith.constant 0 : i32
    %dma_wait3A_64 = arith.constant 0 : i32
    %dma_wait3A_65 = tpu.memref_slice %arg4[%dma_wait3A_63, %dma_wait3A_64] : memref<10000x16xf32, #tpu.memory_space<hbm>> -> memref<10000x16xf32, #tpu.memory_space<hbm>>
    tpu.wait_indirect_dma semaphore(%arg15 : memref<!tpu.dma_semaphore, #tpu.memory_space<semaphore_mem>>) src(%dma_wait3A_65 : memref<10000x16xf32, #tpu.memory_space<hbm>>) dst(%arg11 : memref<128x16xf32, #tpu.memory_space<vmem>>)
    %dma_start3A_66 = arith.constant 2 : i32
    %dma_start3A_67 = arith.constant 0 : i32
    %dma_start3A_68 = tpu.memref_slice %arg8[%dma_start3A_66, %dma_start3A_67] : memref<84x128xi32, #tpu.memory_space<vmem>> -> memref<1x128xi32, #tpu.memory_space<vmem>>
    %dma_start3A_69 = tpu.memref_squeeze %dma_start3A_68 : memref<1x128xi32, #tpu.memory_space<vmem>> -> memref<128xi32, #tpu.memory_space<vmem>>
    %dma_start3A_70 = arith.constant 0 : i32
    %dma_start3A_71 = arith.constant 0 : i32
    %dma_start3A_72 = tpu.memref_slice %arg21[%dma_start3A_70, %dma_start3A_71] : memref<10112x16xf32, #tpu.memory_space<vmem_shared>> -> memref<10112x16xf32, #tpu.memory_space<vmem_shared>>
    tpu.enqueue_indirect_dma source(%arg11 : memref<128x16xf32, #tpu.memory_space<vmem>>) target(%dma_start3A_72 : memref<10112x16xf32, #tpu.memory_space<vmem_shared>>) offsets(%dma_start3A_69 : memref<128xi32, #tpu.memory_space<vmem>>) semaphore(%arg19 : memref<!tpu.dma_semaphore, #tpu.memory_space<semaphore_mem>>) {add = true}
    %dma_wait3A_73 = arith.constant 0 : i32
    %dma_wait3A_74 = arith.constant 0 : i32
    %dma_wait3A_75 = tpu.memref_slice %arg8[%dma_wait3A_73, %dma_wait3A_74] : memref<84x128xi32, #tpu.memory_space<vmem>> -> memref<1x128xi32, #tpu.memory_space<vmem>>
    %dma_wait3A_76 = tpu.memref_squeeze %dma_wait3A_75 : memref<1x128xi32, #tpu.memory_space<vmem>> -> memref<128xi32, #tpu.memory_space<vmem>>
    %dma_wait3A_77 = arith.constant 0 : i32
    %dma_wait3A_78 = arith.constant 0 : i32
    %dma_wait3A_79 = tpu.memref_slice %arg21[%dma_wait3A_77, %dma_wait3A_78] : memref<10112x16xf32, #tpu.memory_space<vmem_shared>> -> memref<10112x16xf32, #tpu.memory_space<vmem_shared>>
    tpu.wait_indirect_dma semaphore(%arg17 : memref<!tpu.dma_semaphore, #tpu.memory_space<semaphore_mem>>) src(%arg9 : memref<128x16xf32, #tpu.memory_space<vmem>>) dst(%dma_wait3A_79 : memref<10112x16xf32, #tpu.memory_space<vmem_shared>>)
    %dma_start3A_80 = arith.constant 4 : i32
    %dma_start3A_81 = arith.constant 0 : i32
    %dma_start3A_82 = tpu.memref_slice %arg7[%dma_start3A_80, %dma_start3A_81] : memref<84x128xi32, #tpu.memory_space<vmem>> -> memref<1x128xi32, #tpu.memory_space<vmem>>
    %dma_start3A_83 = tpu.memref_squeeze %dma_start3A_82 : memref<1x128xi32, #tpu.memory_space<vmem>> -> memref<128xi32, #tpu.memory_space<vmem>>
    %dma_start3A_84 = arith.constant 0 : i32
    %dma_start3A_85 = arith.constant 0 : i32
    %dma_start3A_86 = tpu.memref_slice %arg4[%dma_start3A_84, %dma_start3A_85] : memref<10000x16xf32, #tpu.memory_space<hbm>> -> memref<10000x16xf32, #tpu.memory_space<hbm>>
    tpu.enqueue_indirect_dma source(%dma_start3A_86 : memref<10000x16xf32, #tpu.memory_space<hbm>>) target(%arg9 : memref<128x16xf32, #tpu.memory_space<vmem>>) offsets(%dma_start3A_83 : memref<128xi32, #tpu.memory_space<vmem>>) semaphore(%arg13 : memref<!tpu.dma_semaphore, #tpu.memory_space<semaphore_mem>>)
    %dma_wait3A_87 = arith.constant 3 : i32
    %dma_wait3A_88 = arith.constant 0 : i32
    %dma_wait3A_89 = tpu.memref_slice %arg7[%dma_wait3A_87, %dma_wait3A_88] : memref<84x128xi32, #tpu.memory_space<vmem>> -> memref<1x128xi32, #tpu.memory_space<vmem>>
    %dma_wait3A_90 = tpu.memref_squeeze %dma_wait3A_89 : memref<1x128xi32, #tpu.memory_space<vmem>> -> memref<128xi32, #tpu.memory_space<vmem>>
    %dma_wait3A_91 = arith.constant 0 : i32
    %dma_wait3A_92 = arith.constant 0 : i32
    %dma_wait3A_93 = tpu.memref_slice %arg4[%dma_wait3A_91, %dma_wait3A_92] : memref<10000x16xf32, #tpu.memory_space<hbm>> -> memref<10000x16xf32, #tpu.memory_space<hbm>>
    tpu.wait_indirect_dma semaphore(%arg16 : memref<!tpu.dma_semaphore, #tpu.memory_space<semaphore_mem>>) src(%dma_wait3A_93 : memref<10000x16xf32, #tpu.memory_space<hbm>>) dst(%arg12 : memref<128x16xf32, #tpu.memory_space<vmem>>)
    %dma_start3A_94 = arith.constant 3 : i32
    %dma_start3A_95 = arith.constant 0 : i32
    %dma_start3A_96 = tpu.memref_slice %arg8[%dma_start3A_94, %dma_start3A_95] : memref<84x128xi32, #tpu.memory_space<vmem>> -> memref<1x128xi32, #tpu.memory_space<vmem>>
    %dma_start3A_97 = tpu.memref_squeeze %dma_start3A_96 : memref<1x128xi32, #tpu.memory_space<vmem>> -> memref<128xi32, #tpu.memory_space<vmem>>
    %dma_start3A_98 = arith.constant 0 : i32
    %dma_start3A_99 = arith.constant 0 : i32
    %dma_start3A_100 = tpu.memref_slice %arg21[%dma_start3A_98, %dma_start3A_99] : memref<10112x16xf32, #tpu.memory_space<vmem_shared>> -> memref<10112x16xf32, #tpu.memory_space<vmem_shared>>
    tpu.enqueue_indirect_dma source(%arg12 : memref<128x16xf32, #tpu.memory_space<vmem>>) target(%dma_start3A_100 : memref<10112x16xf32, #tpu.memory_space<vmem_shared>>) offsets(%dma_start3A_97 : memref<128xi32, #tpu.memory_space<vmem>>) semaphore(%arg20 : memref<!tpu.dma_semaphore, #tpu.memory_space<semaphore_mem>>) {add = true}
    %dma_wait3A_101 = arith.constant 0 : i32
    %dma_wait3A_102 = arith.constant 0 : i32
    %dma_wait3A_103 = tpu.memref_slice %arg8[%dma_wait3A_101, %dma_wait3A_102] : memref<84x128xi32, #tpu.memory_space<vmem>> -> memref<1x128xi32, #tpu.memory_space<vmem>>
    %dma_wait3A_104 = tpu.memref_squeeze %dma_wait3A_103 : memref<1x128xi32, #tpu.memory_space<vmem>> -> memref<128xi32, #tpu.memory_space<vmem>>
    %dma_wait3A_105 = arith.constant 0 : i32
    %dma_wait3A_106 = arith.constant 0 : i32
    %dma_wait3A_107 = tpu.memref_slice %arg21[%dma_wait3A_105, %dma_wait3A_106] : memref<10112x16xf32, #tpu.memory_space<vmem_shared>> -> memref<10112x16xf32, #tpu.memory_space<vmem_shared>>
    tpu.wait_indirect_dma semaphore(%arg18 : memref<!tpu.dma_semaphore, #tpu.memory_space<semaphore_mem>>) src(%arg10 : memref<128x16xf32, #tpu.memory_space<vmem>>) dst(%dma_wait3A_107 : memref<10112x16xf32, #tpu.memory_space<vmem_shared>>)
    %dma_start3A_108 = arith.constant 5 : i32
    %dma_start3A_109 = arith.constant 0 : i32
    %dma_start3A_110 = tpu.memref_slice %arg7[%dma_start3A_108, %dma_start3A_109] : memref<84x128xi32, #tpu.memory_space<vmem>> -> memref<1x128xi32, #tpu.memory_space<vmem>>
    %dma_start3A_111 = tpu.memref_squeeze %dma_start3A_110 : memref<1x128xi32, #tpu.memory_space<vmem>> -> memref<128xi32, #tpu.memory_space<vmem>>
    %dma_start3A_112 = arith.constant 0 : i32
    %dma_start3A_113 = arith.constant 0 : i32
    %dma_start3A_114 = tpu.memref_slice %arg4[%dma_start3A_112, %dma_start3A_113] : memref<10000x16xf32, #tpu.memory_space<hbm>> -> memref<10000x16xf32, #tpu.memory_space<hbm>>
    tpu.enqueue_indirect_dma source(%dma_start3A_114 : memref<10000x16xf32, #tpu.memory_space<hbm>>) target(%arg10 : memref<128x16xf32, #tpu.memory_space<vmem>>) offsets(%dma_start3A_111 : memref<128xi32, #tpu.memory_space<vmem>>) semaphore(%arg14 : memref<!tpu.dma_semaphore, #tpu.memory_space<semaphore_mem>>)
    %scan3A = arith.constant 0 : i32
    %scan3A_115 = arith.constant 1 : i32
    %scan3A_116 = arith.constant 19 : i32
    %scan3A_117 = arith.addi %scan3A_115, %scan3A_116 : i32
    %scan3A_118 = arith.constant 1 : i32
    %scan3A_119 = scf.for %scan3A_154 = %scan3A_115 to %scan3A_117 step %scan3A_118 iter_args(%scan3A_155 = %scan3A) -> (i32)  : i32 {
      %mul3A_156 = arith.constant 4 : i32
      %mul3A_157 = arith.muli %scan3A_154, %mul3A_156 : i32
      %add3A_158 = arith.constant 0 : i32
      %add3A_159 = arith.addi %mul3A_157, %add3A_158 : i32
      %dma_wait3A_160 = arith.constant 0 : i32
      %dma_wait3A_161 = tpu.memref_slice %arg7[%add3A_159, %dma_wait3A_160] : memref<84x128xi32, #tpu.memory_space<vmem>> -> memref<1x128xi32, #tpu.memory_space<vmem>>
      %dma_wait3A_162 = tpu.memref_squeeze %dma_wait3A_161 : memref<1x128xi32, #tpu.memory_space<vmem>> -> memref<128xi32, #tpu.memory_space<vmem>>
      %dma_wait3A_163 = arith.constant 0 : i32
      %dma_wait3A_164 = arith.constant 0 : i32
      %dma_wait3A_165 = tpu.memref_slice %arg4[%dma_wait3A_163, %dma_wait3A_164] : memref<10000x16xf32, #tpu.memory_space<hbm>> -> memref<10000x16xf32, #tpu.memory_space<hbm>>
      tpu.wait_indirect_dma semaphore(%arg13 : memref<!tpu.dma_semaphore, #tpu.memory_space<semaphore_mem>>) src(%dma_wait3A_165 : memref<10000x16xf32, #tpu.memory_space<hbm>>) dst(%arg9 : memref<128x16xf32, #tpu.memory_space<vmem>>)
      %dma_start3A_166 = arith.constant 0 : i32
      %dma_start3A_167 = tpu.memref_slice %arg8[%add3A_159, %dma_start3A_166] : memref<84x128xi32, #tpu.memory_space<vmem>> -> memref<1x128xi32, #tpu.memory_space<vmem>>
      %dma_start3A_168 = tpu.memref_squeeze %dma_start3A_167 : memref<1x128xi32, #tpu.memory_space<vmem>> -> memref<128xi32, #tpu.memory_space<vmem>>
      %dma_start3A_169 = arith.constant 0 : i32
      %dma_start3A_170 = arith.constant 0 : i32
      %dma_start3A_171 = tpu.memref_slice %arg21[%dma_start3A_169, %dma_start3A_170] : memref<10112x16xf32, #tpu.memory_space<vmem_shared>> -> memref<10112x16xf32, #tpu.memory_space<vmem_shared>>
      tpu.enqueue_indirect_dma source(%arg9 : memref<128x16xf32, #tpu.memory_space<vmem>>) target(%dma_start3A_171 : memref<10112x16xf32, #tpu.memory_space<vmem_shared>>) offsets(%dma_start3A_168 : memref<128xi32, #tpu.memory_space<vmem>>) semaphore(%arg17 : memref<!tpu.dma_semaphore, #tpu.memory_space<semaphore_mem>>) {add = true}
      %dma_wait3A_172 = arith.constant 0 : i32
      %dma_wait3A_173 = arith.constant 0 : i32
      %dma_wait3A_174 = tpu.memref_slice %arg8[%dma_wait3A_172, %dma_wait3A_173] : memref<84x128xi32, #tpu.memory_space<vmem>> -> memref<1x128xi32, #tpu.memory_space<vmem>>
      %dma_wait3A_175 = tpu.memref_squeeze %dma_wait3A_174 : memref<1x128xi32, #tpu.memory_space<vmem>> -> memref<128xi32, #tpu.memory_space<vmem>>
      %dma_wait3A_176 = arith.constant 0 : i32
      %dma_wait3A_177 = arith.constant 0 : i32
      %dma_wait3A_178 = tpu.memref_slice %arg21[%dma_wait3A_176, %dma_wait3A_177] : memref<10112x16xf32, #tpu.memory_space<vmem_shared>> -> memref<10112x16xf32, #tpu.memory_space<vmem_shared>>
      tpu.wait_indirect_dma semaphore(%arg19 : memref<!tpu.dma_semaphore, #tpu.memory_space<semaphore_mem>>) src(%arg11 : memref<128x16xf32, #tpu.memory_space<vmem>>) dst(%dma_wait3A_178 : memref<10112x16xf32, #tpu.memory_space<vmem_shared>>)
      %add3A_179 = arith.constant 2 : i32
      %add3A_180 = arith.addi %add3A_159, %add3A_179 : i32
      %dma_start3A_181 = arith.constant 0 : i32
      %dma_start3A_182 = tpu.memref_slice %arg7[%add3A_180, %dma_start3A_181] : memref<84x128xi32, #tpu.memory_space<vmem>> -> memref<1x128xi32, #tpu.memory_space<vmem>>
      %dma_start3A_183 = tpu.memref_squeeze %dma_start3A_182 : memref<1x128xi32, #tpu.memory_space<vmem>> -> memref<128xi32, #tpu.memory_space<vmem>>
      %dma_start3A_184 = arith.constant 0 : i32
      %dma_start3A_185 = arith.constant 0 : i32
      %dma_start3A_186 = tpu.memref_slice %arg4[%dma_start3A_184, %dma_start3A_185] : memref<10000x16xf32, #tpu.memory_space<hbm>> -> memref<10000x16xf32, #tpu.memory_space<hbm>>
      tpu.enqueue_indirect_dma source(%dma_start3A_186 : memref<10000x16xf32, #tpu.memory_space<hbm>>) target(%arg11 : memref<128x16xf32, #tpu.memory_space<vmem>>) offsets(%dma_start3A_183 : memref<128xi32, #tpu.memory_space<vmem>>) semaphore(%arg15 : memref<!tpu.dma_semaphore, #tpu.memory_space<semaphore_mem>>)
      %mul3A_187 = arith.constant 4 : i32
      %mul3A_188 = arith.muli %scan3A_154, %mul3A_187 : i32
      %add3A_189 = arith.constant 1 : i32
      %add3A_190 = arith.addi %mul3A_188, %add3A_189 : i32
      %dma_wait3A_191 = arith.constant 0 : i32
      %dma_wait3A_192 = tpu.memref_slice %arg7[%add3A_190, %dma_wait3A_191] : memref<84x128xi32, #tpu.memory_space<vmem>> -> memref<1x128xi32, #tpu.memory_space<vmem>>
      %dma_wait3A_193 = tpu.memref_squeeze %dma_wait3A_192 : memref<1x128xi32, #tpu.memory_space<vmem>> -> memref<128xi32, #tpu.memory_space<vmem>>
      %dma_wait3A_194 = arith.constant 0 : i32
      %dma_wait3A_195 = arith.constant 0 : i32
      %dma_wait3A_196 = tpu.memref_slice %arg4[%dma_wait3A_194, %dma_wait3A_195] : memref<10000x16xf32, #tpu.memory_space<hbm>> -> memref<10000x16xf32, #tpu.memory_space<hbm>>
      tpu.wait_indirect_dma semaphore(%arg14 : memref<!tpu.dma_semaphore, #tpu.memory_space<semaphore_mem>>) src(%dma_wait3A_196 : memref<10000x16xf32, #tpu.memory_space<hbm>>) dst(%arg10 : memref<128x16xf32, #tpu.memory_space<vmem>>)
      %dma_start3A_197 = arith.constant 0 : i32
      %dma_start3A_198 = tpu.memref_slice %arg8[%add3A_190, %dma_start3A_197] : memref<84x128xi32, #tpu.memory_space<vmem>> -> memref<1x128xi32, #tpu.memory_space<vmem>>
      %dma_start3A_199 = tpu.memref_squeeze %dma_start3A_198 : memref<1x128xi32, #tpu.memory_space<vmem>> -> memref<128xi32, #tpu.memory_space<vmem>>
      %dma_start3A_200 = arith.constant 0 : i32
      %dma_start3A_201 = arith.constant 0 : i32
      %dma_start3A_202 = tpu.memref_slice %arg21[%dma_start3A_200, %dma_start3A_201] : memref<10112x16xf32, #tpu.memory_space<vmem_shared>> -> memref<10112x16xf32, #tpu.memory_space<vmem_shared>>
      tpu.enqueue_indirect_dma source(%arg10 : memref<128x16xf32, #tpu.memory_space<vmem>>) target(%dma_start3A_202 : memref<10112x16xf32, #tpu.memory_space<vmem_shared>>) offsets(%dma_start3A_199 : memref<128xi32, #tpu.memory_space<vmem>>) semaphore(%arg18 : memref<!tpu.dma_semaphore, #tpu.memory_space<semaphore_mem>>) {add = true}
      %dma_wait3A_203 = arith.constant 0 : i32
      %dma_wait3A_204 = arith.constant 0 : i32
      %dma_wait3A_205 = tpu.memref_slice %arg8[%dma_wait3A_203, %dma_wait3A_204] : memref<84x128xi32, #tpu.memory_space<vmem>> -> memref<1x128xi32, #tpu.memory_space<vmem>>
      %dma_wait3A_206 = tpu.memref_squeeze %dma_wait3A_205 : memref<1x128xi32, #tpu.memory_space<vmem>> -> memref<128xi32, #tpu.memory_space<vmem>>
      %dma_wait3A_207 = arith.constant 0 : i32
      %dma_wait3A_208 = arith.constant 0 : i32
      %dma_wait3A_209 = tpu.memref_slice %arg21[%dma_wait3A_207, %dma_wait3A_208] : memref<10112x16xf32, #tpu.memory_space<vmem_shared>> -> memref<10112x16xf32, #tpu.memory_space<vmem_shared>>
      tpu.wait_indirect_dma semaphore(%arg20 : memref<!tpu.dma_semaphore, #tpu.memory_space<semaphore_mem>>) src(%arg12 : memref<128x16xf32, #tpu.memory_space<vmem>>) dst(%dma_wait3A_209 : memref<10112x16xf32, #tpu.memory_space<vmem_shared>>)
      %add3A_210 = arith.constant 2 : i32
      %add3A_211 = arith.addi %add3A_190, %add3A_210 : i32
      %dma_start3A_212 = arith.constant 0 : i32
      %dma_start3A_213 = tpu.memref_slice %arg7[%add3A_211, %dma_start3A_212] : memref<84x128xi32, #tpu.memory_space<vmem>> -> memref<1x128xi32, #tpu.memory_space<vmem>>
      %dma_start3A_214 = tpu.memref_squeeze %dma_start3A_213 : memref<1x128xi32, #tpu.memory_space<vmem>> -> memref<128xi32, #tpu.memory_space<vmem>>
      %dma_start3A_215 = arith.constant 0 : i32
      %dma_start3A_216 = arith.constant 0 : i32
      %dma_start3A_217 = tpu.memref_slice %arg4[%dma_start3A_215, %dma_start3A_216] : memref<10000x16xf32, #tpu.memory_space<hbm>> -> memref<10000x16xf32, #tpu.memory_space<hbm>>
      tpu.enqueue_indirect_dma source(%dma_start3A_217 : memref<10000x16xf32, #tpu.memory_space<hbm>>) target(%arg12 : memref<128x16xf32, #tpu.memory_space<vmem>>) offsets(%dma_start3A_214 : memref<128xi32, #tpu.memory_space<vmem>>) semaphore(%arg16 : memref<!tpu.dma_semaphore, #tpu.memory_space<semaphore_mem>>)
      %mul3A_218 = arith.constant 4 : i32
      %mul3A_219 = arith.muli %scan3A_154, %mul3A_218 : i32
      %add3A_220 = arith.constant 2 : i32
      %add3A_221 = arith.addi %mul3A_219, %add3A_220 : i32
      %dma_wait3A_222 = arith.constant 0 : i32
      %dma_wait3A_223 = tpu.memref_slice %arg7[%add3A_221, %dma_wait3A_222] : memref<84x128xi32, #tpu.memory_space<vmem>> -> memref<1x128xi32, #tpu.memory_space<vmem>>
      %dma_wait3A_224 = tpu.memref_squeeze %dma_wait3A_223 : memref<1x128xi32, #tpu.memory_space<vmem>> -> memref<128xi32, #tpu.memory_space<vmem>>
      %dma_wait3A_225 = arith.constant 0 : i32
      %dma_wait3A_226 = arith.constant 0 : i32
      %dma_wait3A_227 = tpu.memref_slice %arg4[%dma_wait3A_225, %dma_wait3A_226] : memref<10000x16xf32, #tpu.memory_space<hbm>> -> memref<10000x16xf32, #tpu.memory_space<hbm>>
      tpu.wait_indirect_dma semaphore(%arg15 : memref<!tpu.dma_semaphore, #tpu.memory_space<semaphore_mem>>) src(%dma_wait3A_227 : memref<10000x16xf32, #tpu.memory_space<hbm>>) dst(%arg11 : memref<128x16xf32, #tpu.memory_space<vmem>>)
      %dma_start3A_228 = arith.constant 0 : i32
      %dma_start3A_229 = tpu.memref_slice %arg8[%add3A_221, %dma_start3A_228] : memref<84x128xi32, #tpu.memory_space<vmem>> -> memref<1x128xi32, #tpu.memory_space<vmem>>
      %dma_start3A_230 = tpu.memref_squeeze %dma_start3A_229 : memref<1x128xi32, #tpu.memory_space<vmem>> -> memref<128xi32, #tpu.memory_space<vmem>>
      %dma_start3A_231 = arith.constant 0 : i32
      %dma_start3A_232 = arith.constant 0 : i32
      %dma_start3A_233 = tpu.memref_slice %arg21[%dma_start3A_231, %dma_start3A_232] : memref<10112x16xf32, #tpu.memory_space<vmem_shared>> -> memref<10112x16xf32, #tpu.memory_space<vmem_shared>>
      tpu.enqueue_indirect_dma source(%arg11 : memref<128x16xf32, #tpu.memory_space<vmem>>) target(%dma_start3A_233 : memref<10112x16xf32, #tpu.memory_space<vmem_shared>>) offsets(%dma_start3A_230 : memref<128xi32, #tpu.memory_space<vmem>>) semaphore(%arg19 : memref<!tpu.dma_semaphore, #tpu.memory_space<semaphore_mem>>) {add = true}
      %dma_wait3A_234 = arith.constant 0 : i32
      %dma_wait3A_235 = arith.constant 0 : i32
      %dma_wait3A_236 = tpu.memref_slice %arg8[%dma_wait3A_234, %dma_wait3A_235] : memref<84x128xi32, #tpu.memory_space<vmem>> -> memref<1x128xi32, #tpu.memory_space<vmem>>
      %dma_wait3A_237 = tpu.memref_squeeze %dma_wait3A_236 : memref<1x128xi32, #tpu.memory_space<vmem>> -> memref<128xi32, #tpu.memory_space<vmem>>
      %dma_wait3A_238 = arith.constant 0 : i32
      %dma_wait3A_239 = arith.constant 0 : i32
      %dma_wait3A_240 = tpu.memref_slice %arg21[%dma_wait3A_238, %dma_wait3A_239] : memref<10112x16xf32, #tpu.memory_space<vmem_shared>> -> memref<10112x16xf32, #tpu.memory_space<vmem_shared>>
      tpu.wait_indirect_dma semaphore(%arg17 : memref<!tpu.dma_semaphore, #tpu.memory_space<semaphore_mem>>) src(%arg9 : memref<128x16xf32, #tpu.memory_space<vmem>>) dst(%dma_wait3A_240 : memref<10112x16xf32, #tpu.memory_space<vmem_shared>>)
      %add3A_241 = arith.constant 2 : i32
      %add3A_242 = arith.addi %add3A_221, %add3A_241 : i32
      %dma_start3A_243 = arith.constant 0 : i32
      %dma_start3A_244 = tpu.memref_slice %arg7[%add3A_242, %dma_start3A_243] : memref<84x128xi32, #tpu.memory_space<vmem>> -> memref<1x128xi32, #tpu.memory_space<vmem>>
      %dma_start3A_245 = tpu.memref_squeeze %dma_start3A_244 : memref<1x128xi32, #tpu.memory_space<vmem>> -> memref<128xi32, #tpu.memory_space<vmem>>
      %dma_start3A_246 = arith.constant 0 : i32
      %dma_start3A_247 = arith.constant 0 : i32
      %dma_start3A_248 = tpu.memref_slice %arg4[%dma_start3A_246, %dma_start3A_247] : memref<10000x16xf32, #tpu.memory_space<hbm>> -> memref<10000x16xf32, #tpu.memory_space<hbm>>
      tpu.enqueue_indirect_dma source(%dma_start3A_248 : memref<10000x16xf32, #tpu.memory_space<hbm>>) target(%arg9 : memref<128x16xf32, #tpu.memory_space<vmem>>) offsets(%dma_start3A_245 : memref<128xi32, #tpu.memory_space<vmem>>) semaphore(%arg13 : memref<!tpu.dma_semaphore, #tpu.memory_space<semaphore_mem>>)
      %mul3A_249 = arith.constant 4 : i32
      %mul3A_250 = arith.muli %scan3A_154, %mul3A_249 : i32
      %add3A_251 = arith.constant 3 : i32
      %add3A_252 = arith.addi %mul3A_250, %add3A_251 : i32
      %dma_wait3A_253 = arith.constant 0 : i32
      %dma_wait3A_254 = tpu.memref_slice %arg7[%add3A_252, %dma_wait3A_253] : memref<84x128xi32, #tpu.memory_space<vmem>> -> memref<1x128xi32, #tpu.memory_space<vmem>>
      %dma_wait3A_255 = tpu.memref_squeeze %dma_wait3A_254 : memref<1x128xi32, #tpu.memory_space<vmem>> -> memref<128xi32, #tpu.memory_space<vmem>>
      %dma_wait3A_256 = arith.constant 0 : i32
      %dma_wait3A_257 = arith.constant 0 : i32
      %dma_wait3A_258 = tpu.memref_slice %arg4[%dma_wait3A_256, %dma_wait3A_257] : memref<10000x16xf32, #tpu.memory_space<hbm>> -> memref<10000x16xf32, #tpu.memory_space<hbm>>
      tpu.wait_indirect_dma semaphore(%arg16 : memref<!tpu.dma_semaphore, #tpu.memory_space<semaphore_mem>>) src(%dma_wait3A_258 : memref<10000x16xf32, #tpu.memory_space<hbm>>) dst(%arg12 : memref<128x16xf32, #tpu.memory_space<vmem>>)
      %dma_start3A_259 = arith.constant 0 : i32
      %dma_start3A_260 = tpu.memref_slice %arg8[%add3A_252, %dma_start3A_259] : memref<84x128xi32, #tpu.memory_space<vmem>> -> memref<1x128xi32, #tpu.memory_space<vmem>>
      %dma_start3A_261 = tpu.memref_squeeze %dma_start3A_260 : memref<1x128xi32, #tpu.memory_space<vmem>> -> memref<128xi32, #tpu.memory_space<vmem>>
      %dma_start3A_262 = arith.constant 0 : i32
      %dma_start3A_263 = arith.constant 0 : i32
      %dma_start3A_264 = tpu.memref_slice %arg21[%dma_start3A_262, %dma_start3A_263] : memref<10112x16xf32, #tpu.memory_space<vmem_shared>> -> memref<10112x16xf32, #tpu.memory_space<vmem_shared>>
      tpu.enqueue_indirect_dma source(%arg12 : memref<128x16xf32, #tpu.memory_space<vmem>>) target(%dma_start3A_264 : memref<10112x16xf32, #tpu.memory_space<vmem_shared>>) offsets(%dma_start3A_261 : memref<128xi32, #tpu.memory_space<vmem>>) semaphore(%arg20 : memref<!tpu.dma_semaphore, #tpu.memory_space<semaphore_mem>>) {add = true}
      %dma_wait3A_265 = arith.constant 0 : i32
      %dma_wait3A_266 = arith.constant 0 : i32
      %dma_wait3A_267 = tpu.memref_slice %arg8[%dma_wait3A_265, %dma_wait3A_266] : memref<84x128xi32, #tpu.memory_space<vmem>> -> memref<1x128xi32, #tpu.memory_space<vmem>>
      %dma_wait3A_268 = tpu.memref_squeeze %dma_wait3A_267 : memref<1x128xi32, #tpu.memory_space<vmem>> -> memref<128xi32, #tpu.memory_space<vmem>>
      %dma_wait3A_269 = arith.constant 0 : i32
      %dma_wait3A_270 = arith.constant 0 : i32
      %dma_wait3A_271 = tpu.memref_slice %arg21[%dma_wait3A_269, %dma_wait3A_270] : memref<10112x16xf32, #tpu.memory_space<vmem_shared>> -> memref<10112x16xf32, #tpu.memory_space<vmem_shared>>
      tpu.wait_indirect_dma semaphore(%arg18 : memref<!tpu.dma_semaphore, #tpu.memory_space<semaphore_mem>>) src(%arg10 : memref<128x16xf32, #tpu.memory_space<vmem>>) dst(%dma_wait3A_271 : memref<10112x16xf32, #tpu.memory_space<vmem_shared>>)
      %add3A_272 = arith.constant 2 : i32
      %add3A_273 = arith.addi %add3A_252, %add3A_272 : i32
      %dma_start3A_274 = arith.constant 0 : i32
      %dma_start3A_275 = tpu.memref_slice %arg7[%add3A_273, %dma_start3A_274] : memref<84x128xi32, #tpu.memory_space<vmem>> -> memref<1x128xi32, #tpu.memory_space<vmem>>
      %dma_start3A_276 = tpu.memref_squeeze %dma_start3A_275 : memref<1x128xi32, #tpu.memory_space<vmem>> -> memref<128xi32, #tpu.memory_space<vmem>>
      %dma_start3A_277 = arith.constant 0 : i32
      %dma_start3A_278 = arith.constant 0 : i32
      %dma_start3A_279 = tpu.memref_slice %arg4[%dma_start3A_277, %dma_start3A_278] : memref<10000x16xf32, #tpu.memory_space<hbm>> -> memref<10000x16xf32, #tpu.memory_space<hbm>>
      tpu.enqueue_indirect_dma source(%dma_start3A_279 : memref<10000x16xf32, #tpu.memory_space<hbm>>) target(%arg10 : memref<128x16xf32, #tpu.memory_space<vmem>>) offsets(%dma_start3A_276 : memref<128xi32, #tpu.memory_space<vmem>>) semaphore(%arg14 : memref<!tpu.dma_semaphore, #tpu.memory_space<semaphore_mem>>)
      %scan3A_280 = arith.constant 0 : i32
      scf.yield %scan3A_280 : i32
    }
    %scan3A_120 = arith.constant 19 : i32
    %dma_wait3A_121 = arith.constant 0 : i32
    %dma_wait3A_122 = arith.constant 0 : i32
    %dma_wait3A_123 = tpu.memref_slice %arg8[%dma_wait3A_121, %dma_wait3A_122] : memref<84x128xi32, #tpu.memory_space<vmem>> -> memref<1x128xi32, #tpu.memory_space<vmem>>
    %dma_wait3A_124 = tpu.memref_squeeze %dma_wait3A_123 : memref<1x128xi32, #tpu.memory_space<vmem>> -> memref<128xi32, #tpu.memory_space<vmem>>
    %dma_wait3A_125 = arith.constant 0 : i32
    %dma_wait3A_126 = arith.constant 0 : i32
    %dma_wait3A_127 = tpu.memref_slice %arg21[%dma_wait3A_125, %dma_wait3A_126] : memref<10112x16xf32, #tpu.memory_space<vmem_shared>> -> memref<10112x16xf32, #tpu.memory_space<vmem_shared>>
    tpu.wait_indirect_dma semaphore(%arg19 : memref<!tpu.dma_semaphore, #tpu.memory_space<semaphore_mem>>) src(%arg11 : memref<128x16xf32, #tpu.memory_space<vmem>>) dst(%dma_wait3A_127 : memref<10112x16xf32, #tpu.memory_space<vmem_shared>>)
    %dma_wait3A_128 = arith.constant 0 : i32
    %dma_wait3A_129 = arith.constant 0 : i32
    %dma_wait3A_130 = tpu.memref_slice %arg8[%dma_wait3A_128, %dma_wait3A_129] : memref<84x128xi32, #tpu.memory_space<vmem>> -> memref<1x128xi32, #tpu.memory_space<vmem>>
    %dma_wait3A_131 = tpu.memref_squeeze %dma_wait3A_130 : memref<1x128xi32, #tpu.memory_space<vmem>> -> memref<128xi32, #tpu.memory_space<vmem>>
    %dma_wait3A_132 = arith.constant 0 : i32
    %dma_wait3A_133 = arith.constant 0 : i32
    %dma_wait3A_134 = tpu.memref_slice %arg21[%dma_wait3A_132, %dma_wait3A_133] : memref<10112x16xf32, #tpu.memory_space<vmem_shared>> -> memref<10112x16xf32, #tpu.memory_space<vmem_shared>>
    tpu.wait_indirect_dma semaphore(%arg20 : memref<!tpu.dma_semaphore, #tpu.memory_space<semaphore_mem>>) src(%arg12 : memref<128x16xf32, #tpu.memory_space<vmem>>) dst(%dma_wait3A_134 : memref<10112x16xf32, #tpu.memory_space<vmem_shared>>)
    %dma_wait3A_135 = arith.constant 80 : i32
    %dma_wait3A_136 = arith.constant 0 : i32
    %dma_wait3A_137 = tpu.memref_slice %arg7[%dma_wait3A_135, %dma_wait3A_136] : memref<84x128xi32, #tpu.memory_space<vmem>> -> memref<1x128xi32, #tpu.memory_space<vmem>>
    %dma_wait3A_138 = tpu.memref_squeeze %dma_wait3A_137 : memref<1x128xi32, #tpu.memory_space<vmem>> -> memref<128xi32, #tpu.memory_space<vmem>>
    %dma_wait3A_139 = arith.constant 0 : i32
    %dma_wait3A_140 = arith.constant 0 : i32
    %dma_wait3A_141 = tpu.memref_slice %arg4[%dma_wait3A_139, %dma_wait3A_140] : memref<10000x16xf32, #tpu.memory_space<hbm>> -> memref<10000x16xf32, #tpu.memory_space<hbm>>
    tpu.wait_indirect_dma semaphore(%arg13 : memref<!tpu.dma_semaphore, #tpu.memory_space<semaphore_mem>>) src(%dma_wait3A_141 : memref<10000x16xf32, #tpu.memory_space<hbm>>) dst(%arg9 : memref<128x16xf32, #tpu.memory_space<vmem>>)
    %dma_wait3A_142 = arith.constant 81 : i32
    %dma_wait3A_143 = arith.constant 0 : i32
    %dma_wait3A_144 = tpu.memref_slice %arg7[%dma_wait3A_142, %dma_wait3A_143] : memref<84x128xi32, #tpu.memory_space<vmem>> -> memref<1x128xi32, #tpu.memory_space<vmem>>
    %dma_wait3A_145 = tpu.memref_squeeze %dma_wait3A_144 : memref<1x128xi32, #tpu.memory_space<vmem>> -> memref<128xi32, #tpu.memory_space<vmem>>
    %dma_wait3A_146 = arith.constant 0 : i32
    %dma_wait3A_147 = arith.constant 0 : i32
    %dma_wait3A_148 = tpu.memref_slice %arg4[%dma_wait3A_146, %dma_wait3A_147] : memref<10000x16xf32, #tpu.memory_space<hbm>> -> memref<10000x16xf32, #tpu.memory_space<hbm>>
    tpu.wait_indirect_dma semaphore(%arg14 : memref<!tpu.dma_semaphore, #tpu.memory_space<semaphore_mem>>) src(%dma_wait3A_148 : memref<10000x16xf32, #tpu.memory_space<hbm>>) dst(%arg10 : memref<128x16xf32, #tpu.memory_space<vmem>>)
    %barrier3A_149 = arith.constant 0 : index
    tpu.barrier barrier_id(%barrier3A_149)
    %mul3A_150 = arith.constant 632 : i32
    %mul3A_151 = arith.muli %arg1, %mul3A_150 : i32
    %mul3A_152 = arith.constant 632 : i32
    %mul3A_153 = arith.muli %arg1, %mul3A_152 : i32
    "tpu.region"() ({
      %run_scoped3A = tpu.sem_alloc : memref<!tpu.dma_semaphore, #tpu.memory_space<semaphore_mem>>
      %dma_start3A_154 = arith.constant 0 : i32
      %dma_start3A_155 = tpu.memref_slice %arg6[%arg0, %mul3A_153, %dma_start3A_154] : memref<2x10112x16xf32, #tpu.memory_space<hbm>> -> memref<1x632x16xf32, #tpu.memory_space<hbm>>
      %dma_start3A_156 = tpu.memref_squeeze %dma_start3A_155 : memref<1x632x16xf32, #tpu.memory_space<hbm>> -> memref<632x16xf32, #tpu.memory_space<hbm>>
      %dma_start3A_157 = arith.constant 0 : i32
      %dma_start3A_158 = tpu.memref_slice %arg21[%mul3A_151, %dma_start3A_157] : memref<10112x16xf32, #tpu.memory_space<vmem_shared>> -> memref<632x16xf32, #tpu.memory_space<vmem_shared>>
      tpu.enqueue_dma source(%dma_start3A_158 : memref<632x16xf32, #tpu.memory_space<vmem_shared>>) target(%dma_start3A_156 : memref<632x16xf32, #tpu.memory_space<hbm>>) target_semaphore(%run_scoped3A : memref<!tpu.dma_semaphore, #tpu.memory_space<semaphore_mem>>)
      %dma_wait3A_159 = arith.constant 0 : i32
      %dma_wait3A_160 = tpu.memref_slice %arg6[%arg0, %mul3A_153, %dma_wait3A_159] : memref<2x10112x16xf32, #tpu.memory_space<hbm>> -> memref<1x632x16xf32, #tpu.memory_space<hbm>>
      %dma_wait3A_161 = tpu.memref_squeeze %dma_wait3A_160 : memref<1x632x16xf32, #tpu.memory_space<hbm>> -> memref<632x16xf32, #tpu.memory_space<hbm>>
      %dma_wait3A_162 = arith.constant 0 : i32
      %dma_wait3A_163 = tpu.memref_slice %arg21[%mul3A_151, %dma_wait3A_162] : memref<10112x16xf32, #tpu.memory_space<vmem_shared>> -> memref<632x16xf32, #tpu.memory_space<vmem_shared>>
      tpu.wait_dma2 semaphore(%run_scoped3A : memref<!tpu.dma_semaphore, #tpu.memory_space<semaphore_mem>>) src(%dma_wait3A_163 : memref<632x16xf32, #tpu.memory_space<vmem_shared>>) dst(%dma_wait3A_161 : memref<632x16xf32, #tpu.memory_space<hbm>>)
      tpu.yield
    }) : () -> ()
    return
  }
}

#map = affine_map<(d0, d1) -> (0, 0, 0)>
#map1 = affine_map<(d0, d1) -> (0, 0)>
module attributes {stable_mosaic.version = 14 : i64} {
  func.func @hist_kernel(%arg0: i32, %arg1: i32, %arg2: memref<32x84x128xi32, #tpu.memory_space<hbm>>, %arg3: memref<32x10112xf32, #tpu.memory_space<hbm>>, %arg4: memref<10112xf32, #tpu.memory_space<vmem>>, %arg5: memref<80x128xi32, #tpu.memory_space<vmem>>) attributes {dimension_semantics = [#tpu.dimension_semantics<core_parallel>, #tpu.dimension_semantics<subcore_parallel>], iteration_bounds = array<i64: 2, 16>, scalar_prefetch = 0 : i64, scratch_operands = 2 : i64, tpu.core_type = #tpu.core_type<sc_vector_subcore>, window_params = [{transform_indices = #map}, {transform_indices = #map1}]} {
    %mul3A = arith.constant 2 : i32
    %mul3A_0 = arith.muli %arg1, %mul3A : i32
    %add3A = arith.addi %mul3A_0, %arg0 : i32
    "tpu.region"() ({
      %run_scoped3A = tpu.sem_alloc : memref<!tpu.dma_semaphore, #tpu.memory_space<semaphore_mem>>
      %dma_start3A = arith.constant 0 : i32
      %dma_start3A_15 = arith.constant 0 : i32
      %dma_start3A_16 = tpu.memref_slice %arg2[%add3A, %dma_start3A, %dma_start3A_15] : memref<32x84x128xi32, #tpu.memory_space<hbm>> -> memref<1x80x128xi32, #tpu.memory_space<hbm>>
      %dma_start3A_17 = tpu.memref_squeeze %dma_start3A_16 : memref<1x80x128xi32, #tpu.memory_space<hbm>> -> memref<80x128xi32, #tpu.memory_space<hbm>>
      %dma_start3A_18 = arith.constant 0 : i32
      %dma_start3A_19 = arith.constant 0 : i32
      %dma_start3A_20 = tpu.memref_slice %arg2[%add3A, %dma_start3A_18, %dma_start3A_19] : memref<32x84x128xi32, #tpu.memory_space<hbm>> -> memref<1x80x128xi32, #tpu.memory_space<hbm>>
      %dma_start3A_21 = tpu.memref_squeeze %dma_start3A_20 : memref<1x80x128xi32, #tpu.memory_space<hbm>> -> memref<80x128xi32, #tpu.memory_space<hbm>>
      tpu.enqueue_dma source(%dma_start3A_21 : memref<80x128xi32, #tpu.memory_space<hbm>>) target(%arg5 : memref<80x128xi32, #tpu.memory_space<vmem>>) target_semaphore(%run_scoped3A : memref<!tpu.dma_semaphore, #tpu.memory_space<semaphore_mem>>)
      %dma_wait3A = arith.constant 0 : i32
      %dma_wait3A_22 = arith.constant 0 : i32
      %dma_wait3A_23 = tpu.memref_slice %arg2[%add3A, %dma_wait3A, %dma_wait3A_22] : memref<32x84x128xi32, #tpu.memory_space<hbm>> -> memref<1x80x128xi32, #tpu.memory_space<hbm>>
      %dma_wait3A_24 = tpu.memref_squeeze %dma_wait3A_23 : memref<1x80x128xi32, #tpu.memory_space<hbm>> -> memref<80x128xi32, #tpu.memory_space<hbm>>
      %dma_wait3A_25 = arith.constant 0 : i32
      %dma_wait3A_26 = arith.constant 0 : i32
      %dma_wait3A_27 = tpu.memref_slice %arg2[%add3A, %dma_wait3A_25, %dma_wait3A_26] : memref<32x84x128xi32, #tpu.memory_space<hbm>> -> memref<1x80x128xi32, #tpu.memory_space<hbm>>
      %dma_wait3A_28 = tpu.memref_squeeze %dma_wait3A_27 : memref<1x80x128xi32, #tpu.memory_space<hbm>> -> memref<80x128xi32, #tpu.memory_space<hbm>>
      tpu.wait_dma2 semaphore(%run_scoped3A : memref<!tpu.dma_semaphore, #tpu.memory_space<semaphore_mem>>) src(%dma_wait3A_28 : memref<80x128xi32, #tpu.memory_space<hbm>>) dst(%arg5 : memref<80x128xi32, #tpu.memory_space<vmem>>)
      tpu.yield
    }) : () -> ()
    %scan3A = arith.constant 0 : i32
    %scan3A_1 = arith.constant 0 : i32
    %scan3A_2 = arith.constant 632 : i32
    %scan3A_3 = arith.addi %scan3A_1, %scan3A_2 : i32
    %scan3A_4 = arith.constant 1 : i32
    %scan3A_5 = scf.for %scan3A_15 = %scan3A_1 to %scan3A_3 step %scan3A_4 iter_args(%scan3A_16 = %scan3A) -> (i32)  : i32 {
      %broadcast_in_dim3A_17 = arith.constant 0.000000e+00 : f32
      %broadcast_in_dim3A_18 = vector.broadcast %broadcast_in_dim3A_17 : f32 to vector<16xf32>
      %mul3A_19 = arith.constant 16 : i32
      %mul3A_20 = arith.muli %scan3A_15, %mul3A_19 : i32
      %swap3A = arith.index_cast %mul3A_20 : i32 to index
      %swap3A_21 = tpu.vector_load %arg4[%swap3A] {strides = array<i32>} : memref<10112xf32, #tpu.memory_space<vmem>>, vector<16xf32>,
      tpu.vector_store %arg4[%swap3A], %broadcast_in_dim3A_18 {strides = array<i32>} : memref<10112xf32, #tpu.memory_space<vmem>>, vector<16xf32>,
      %scan3A_22 = arith.constant 0 : i32
      scf.yield %scan3A_22 : i32
    }
    %scan3A_6 = arith.constant 632 : i32
    %broadcast_in_dim3A = arith.constant 1.000000e+00 : f32
    %broadcast_in_dim3A_7 = vector.broadcast %broadcast_in_dim3A : f32 to vector<16xf32>
    %scan3A_8 = arith.constant 0 : i32
    %scan3A_9 = arith.constant 0 : i32
    %scan3A_10 = arith.constant 80 : i32
    %scan3A_11 = arith.addi %scan3A_9, %scan3A_10 : i32
    %scan3A_12 = arith.constant 1 : i32
    %scan3A_13 = scf.for %scan3A_15 = %scan3A_9 to %scan3A_11 step %scan3A_12 iter_args(%scan3A_16 = %scan3A_8) -> (i32)  : i32 {
      %get3A = arith.index_cast %scan3A_15 : i32 to index
      %get3A_17 = arith.constant 0 : index
      %get3A_18 = tpu.vector_load %arg5[%get3A, %get3A_17] {strides = array<i32>} : memref<80x128xi32, #tpu.memory_space<vmem>>, vector<16xi32>,
      tpu.vector_store_idx %arg4[%get3A_18], %broadcast_in_dim3A_7 {add = true} : memref<10112xf32, #tpu.memory_space<vmem>>[vector<16xi32>], vector<16xf32>,
      %get3A_19 = arith.index_cast %scan3A_15 : i32 to index
      %get3A_20 = arith.constant 16 : index
      %get3A_21 = tpu.vector_load %arg5[%get3A_19, %get3A_20] {strides = array<i32>} : memref<80x128xi32, #tpu.memory_space<vmem>>, vector<16xi32>,
      tpu.vector_store_idx %arg4[%get3A_21], %broadcast_in_dim3A_7 {add = true} : memref<10112xf32, #tpu.memory_space<vmem>>[vector<16xi32>], vector<16xf32>,
      %get3A_22 = arith.index_cast %scan3A_15 : i32 to index
      %get3A_23 = arith.constant 32 : index
      %get3A_24 = tpu.vector_load %arg5[%get3A_22, %get3A_23] {strides = array<i32>} : memref<80x128xi32, #tpu.memory_space<vmem>>, vector<16xi32>,
      tpu.vector_store_idx %arg4[%get3A_24], %broadcast_in_dim3A_7 {add = true} : memref<10112xf32, #tpu.memory_space<vmem>>[vector<16xi32>], vector<16xf32>,
      %get3A_25 = arith.index_cast %scan3A_15 : i32 to index
      %get3A_26 = arith.constant 48 : index
      %get3A_27 = tpu.vector_load %arg5[%get3A_25, %get3A_26] {strides = array<i32>} : memref<80x128xi32, #tpu.memory_space<vmem>>, vector<16xi32>,
      tpu.vector_store_idx %arg4[%get3A_27], %broadcast_in_dim3A_7 {add = true} : memref<10112xf32, #tpu.memory_space<vmem>>[vector<16xi32>], vector<16xf32>,
      %get3A_28 = arith.index_cast %scan3A_15 : i32 to index
      %get3A_29 = arith.constant 64 : index
      %get3A_30 = tpu.vector_load %arg5[%get3A_28, %get3A_29] {strides = array<i32>} : memref<80x128xi32, #tpu.memory_space<vmem>>, vector<16xi32>,
      tpu.vector_store_idx %arg4[%get3A_30], %broadcast_in_dim3A_7 {add = true} : memref<10112xf32, #tpu.memory_space<vmem>>[vector<16xi32>], vector<16xf32>,
      %get3A_31 = arith.index_cast %scan3A_15 : i32 to index
      %get3A_32 = arith.constant 80 : index
      %get3A_33 = tpu.vector_load %arg5[%get3A_31, %get3A_32] {strides = array<i32>} : memref<80x128xi32, #tpu.memory_space<vmem>>, vector<16xi32>,
      tpu.vector_store_idx %arg4[%get3A_33], %broadcast_in_dim3A_7 {add = true} : memref<10112xf32, #tpu.memory_space<vmem>>[vector<16xi32>], vector<16xf32>,
      %get3A_34 = arith.index_cast %scan3A_15 : i32 to index
      %get3A_35 = arith.constant 96 : index
      %get3A_36 = tpu.vector_load %arg5[%get3A_34, %get3A_35] {strides = array<i32>} : memref<80x128xi32, #tpu.memory_space<vmem>>, vector<16xi32>,
      tpu.vector_store_idx %arg4[%get3A_36], %broadcast_in_dim3A_7 {add = true} : memref<10112xf32, #tpu.memory_space<vmem>>[vector<16xi32>], vector<16xf32>,
      %get3A_37 = arith.index_cast %scan3A_15 : i32 to index
      %get3A_38 = arith.constant 112 : index
      %get3A_39 = tpu.vector_load %arg5[%get3A_37, %get3A_38] {strides = array<i32>} : memref<80x128xi32, #tpu.memory_space<vmem>>, vector<16xi32>,
      tpu.vector_store_idx %arg4[%get3A_39], %broadcast_in_dim3A_7 {add = true} : memref<10112xf32, #tpu.memory_space<vmem>>[vector<16xi32>], vector<16xf32>,
      %scan3A_40 = arith.constant 0 : i32
      scf.yield %scan3A_40 : i32
    }
    %scan3A_14 = arith.constant 80 : i32
    "tpu.region"() ({
      %run_scoped3A = tpu.sem_alloc : memref<!tpu.dma_semaphore, #tpu.memory_space<semaphore_mem>>
      %dma_start3A = arith.constant 0 : i32
      %dma_start3A_15 = tpu.memref_slice %arg3[%add3A, %dma_start3A] : memref<32x10112xf32, #tpu.memory_space<hbm>> -> memref<1x10112xf32, #tpu.memory_space<hbm>>
      %dma_start3A_16 = tpu.memref_squeeze %dma_start3A_15 : memref<1x10112xf32, #tpu.memory_space<hbm>> -> memref<10112xf32, #tpu.memory_space<hbm>>
      %dma_start3A_17 = arith.constant 0 : i32
      %dma_start3A_18 = tpu.memref_slice %arg3[%add3A, %dma_start3A_17] : memref<32x10112xf32, #tpu.memory_space<hbm>> -> memref<1x10112xf32, #tpu.memory_space<hbm>>
      %dma_start3A_19 = tpu.memref_squeeze %dma_start3A_18 : memref<1x10112xf32, #tpu.memory_space<hbm>> -> memref<10112xf32, #tpu.memory_space<hbm>>
      tpu.enqueue_dma source(%arg4 : memref<10112xf32, #tpu.memory_space<vmem>>) target(%dma_start3A_19 : memref<10112xf32, #tpu.memory_space<hbm>>) target_semaphore(%run_scoped3A : memref<!tpu.dma_semaphore, #tpu.memory_space<semaphore_mem>>)
      %dma_wait3A = arith.constant 0 : i32
      %dma_wait3A_20 = tpu.memref_slice %arg3[%add3A, %dma_wait3A] : memref<32x10112xf32, #tpu.memory_space<hbm>> -> memref<1x10112xf32, #tpu.memory_space<hbm>>
      %dma_wait3A_21 = tpu.memref_squeeze %dma_wait3A_20 : memref<1x10112xf32, #tpu.memory_space<hbm>> -> memref<10112xf32, #tpu.memory_space<hbm>>
      %dma_wait3A_22 = arith.constant 0 : i32
      %dma_wait3A_23 = tpu.memref_slice %arg3[%add3A, %dma_wait3A_22] : memref<32x10112xf32, #tpu.memory_space<hbm>> -> memref<1x10112xf32, #tpu.memory_space<hbm>>
      %dma_wait3A_24 = tpu.memref_squeeze %dma_wait3A_23 : memref<1x10112xf32, #tpu.memory_space<hbm>> -> memref<10112xf32, #tpu.memory_space<hbm>>
      tpu.wait_dma2 semaphore(%run_scoped3A : memref<!tpu.dma_semaphore, #tpu.memory_space<semaphore_mem>>) src(%arg4 : memref<10112xf32, #tpu.memory_space<vmem>>) dst(%dma_wait3A_24 : memref<10112xf32, #tpu.memory_space<hbm>>)
      tpu.yield
    }) : () -> ()
    return
  }
}

#map = affine_map<(d0, d1) -> (0, 0, 0, 0)>
#map1 = affine_map<(d0, d1) -> (0, 0, 0)>
#map2 = affine_map<(d0, d1) -> (0, 0)>
module attributes {stable_mosaic.version = 14 : i64} {
  func.func @prop_kernel(%arg0: i32, %arg1: i32, %arg2: memref<2x16x165x128xi32, #tpu.memory_space<hbm>>, %arg3: memref<16x165x128xi32, #tpu.memory_space<hbm>>, %arg4: memref<20000x64xf32, #tpu.memory_space<hbm>>, %arg5: memref<10112x64xf32, #tpu.memory_space<hbm>>, %arg6: memref<2x10112x64xf32, #tpu.memory_space<hbm>>, %arg7: memref<165x128xi32, #tpu.memory_space<vmem>>, %arg8: memref<165x128xi32, #tpu.memory_space<vmem>>, %arg9: memref<128x64xf32, #tpu.memory_space<vmem>>, %arg10: memref<128x64xf32, #tpu.memory_space<vmem>>, %arg11: memref<128x64xf32, #tpu.memory_space<vmem>>, %arg12: memref<128x64xf32, #tpu.memory_space<vmem>>, %arg13: memref<128x64xf32, #tpu.memory_space<vmem>>, %arg14: memref<!tpu.dma_semaphore, #tpu.memory_space<semaphore_mem>>, %arg15: memref<!tpu.dma_semaphore, #tpu.memory_space<semaphore_mem>>, %arg16: memref<!tpu.dma_semaphore, #tpu.memory_space<semaphore_mem>>, %arg17: memref<!tpu.dma_semaphore, #tpu.memory_space<semaphore_mem>>, %arg18: memref<!tpu.dma_semaphore, #tpu.memory_space<semaphore_mem>>, %arg19: memref<!tpu.dma_semaphore, #tpu.memory_space<semaphore_mem>>, %arg20: memref<!tpu.dma_semaphore, #tpu.memory_space<semaphore_mem>>, %arg21: memref<!tpu.dma_semaphore, #tpu.memory_space<semaphore_mem>>, %arg22: memref<!tpu.dma_semaphore, #tpu.memory_space<semaphore_mem>>, %arg23: memref<!tpu.dma_semaphore, #tpu.memory_space<semaphore_mem>>, %arg24: memref<10112x64xf32, #tpu.memory_space<vmem_shared>>) attributes {dimension_semantics = [#tpu.dimension_semantics<core_parallel>, #tpu.dimension_semantics<subcore_parallel>], iteration_bounds = array<i64: 2, 16>, scalar_prefetch = 0 : i64, scratch_operands = 18 : i64, tpu.core_type = #tpu.core_type<sc_vector_subcore>, window_params = [{transform_indices = #map}, {transform_indices = #map1}, {transform_indices = #map2}, {transform_indices = #map2}, {transform_indices = #map1}]} {
    "tpu.region"() ({
      %run_scoped3A = tpu.sem_alloc : memref<!tpu.dma_semaphore, #tpu.memory_space<semaphore_mem>>
      %dma_start3A_180 = arith.constant 0 : i32
      %dma_start3A_181 = arith.constant 0 : i32
      %dma_start3A_182 = tpu.memref_slice %arg2[%arg0, %arg1, %dma_start3A_180, %dma_start3A_181] : memref<2x16x165x128xi32, #tpu.memory_space<hbm>> -> memref<1x1x165x128xi32, #tpu.memory_space<hbm>>
      %dma_start3A_183 = tpu.memref_squeeze %dma_start3A_182 : memref<1x1x165x128xi32, #tpu.memory_space<hbm>> -> memref<165x128xi32, #tpu.memory_space<hbm>>
      %dma_start3A_184 = arith.constant 0 : i32
      %dma_start3A_185 = arith.constant 0 : i32
      %dma_start3A_186 = tpu.memref_slice %arg2[%arg0, %arg1, %dma_start3A_184, %dma_start3A_185] : memref<2x16x165x128xi32, #tpu.memory_space<hbm>> -> memref<1x1x165x128xi32, #tpu.memory_space<hbm>>
      %dma_start3A_187 = tpu.memref_squeeze %dma_start3A_186 : memref<1x1x165x128xi32, #tpu.memory_space<hbm>> -> memref<165x128xi32, #tpu.memory_space<hbm>>
      tpu.enqueue_dma source(%dma_start3A_187 : memref<165x128xi32, #tpu.memory_space<hbm>>) target(%arg7 : memref<165x128xi32, #tpu.memory_space<vmem>>) target_semaphore(%run_scoped3A : memref<!tpu.dma_semaphore, #tpu.memory_space<semaphore_mem>>)
      %dma_wait3A_188 = arith.constant 0 : i32
      %dma_wait3A_189 = arith.constant 0 : i32
      %dma_wait3A_190 = tpu.memref_slice %arg2[%arg0, %arg1, %dma_wait3A_188, %dma_wait3A_189] : memref<2x16x165x128xi32, #tpu.memory_space<hbm>> -> memref<1x1x165x128xi32, #tpu.memory_space<hbm>>
      %dma_wait3A_191 = tpu.memref_squeeze %dma_wait3A_190 : memref<1x1x165x128xi32, #tpu.memory_space<hbm>> -> memref<165x128xi32, #tpu.memory_space<hbm>>
      %dma_wait3A_192 = arith.constant 0 : i32
      %dma_wait3A_193 = arith.constant 0 : i32
      %dma_wait3A_194 = tpu.memref_slice %arg2[%arg0, %arg1, %dma_wait3A_192, %dma_wait3A_193] : memref<2x16x165x128xi32, #tpu.memory_space<hbm>> -> memref<1x1x165x128xi32, #tpu.memory_space<hbm>>
      %dma_wait3A_195 = tpu.memref_squeeze %dma_wait3A_194 : memref<1x1x165x128xi32, #tpu.memory_space<hbm>> -> memref<165x128xi32, #tpu.memory_space<hbm>>
      tpu.wait_dma2 semaphore(%run_scoped3A : memref<!tpu.dma_semaphore, #tpu.memory_space<semaphore_mem>>) src(%dma_wait3A_195 : memref<165x128xi32, #tpu.memory_space<hbm>>) dst(%arg7 : memref<165x128xi32, #tpu.memory_space<vmem>>)
      tpu.yield
    }) : () -> ()
    "tpu.region"() ({
      %run_scoped3A = tpu.sem_alloc : memref<!tpu.dma_semaphore, #tpu.memory_space<semaphore_mem>>
      %dma_start3A_180 = arith.constant 0 : i32
      %dma_start3A_181 = arith.constant 0 : i32
      %dma_start3A_182 = tpu.memref_slice %arg3[%arg1, %dma_start3A_180, %dma_start3A_181] : memref<16x165x128xi32, #tpu.memory_space<hbm>> -> memref<1x165x128xi32, #tpu.memory_space<hbm>>
      %dma_start3A_183 = tpu.memref_squeeze %dma_start3A_182 : memref<1x165x128xi32, #tpu.memory_space<hbm>> -> memref<165x128xi32, #tpu.memory_space<hbm>>
      %dma_start3A_184 = arith.constant 0 : i32
      %dma_start3A_185 = arith.constant 0 : i32
      %dma_start3A_186 = tpu.memref_slice %arg3[%arg1, %dma_start3A_184, %dma_start3A_185] : memref<16x165x128xi32, #tpu.memory_space<hbm>> -> memref<1x165x128xi32, #tpu.memory_space<hbm>>
      %dma_start3A_187 = tpu.memref_squeeze %dma_start3A_186 : memref<1x165x128xi32, #tpu.memory_space<hbm>> -> memref<165x128xi32, #tpu.memory_space<hbm>>
      tpu.enqueue_dma source(%dma_start3A_187 : memref<165x128xi32, #tpu.memory_space<hbm>>) target(%arg8 : memref<165x128xi32, #tpu.memory_space<vmem>>) target_semaphore(%run_scoped3A : memref<!tpu.dma_semaphore, #tpu.memory_space<semaphore_mem>>)
      %dma_wait3A_188 = arith.constant 0 : i32
      %dma_wait3A_189 = arith.constant 0 : i32
      %dma_wait3A_190 = tpu.memref_slice %arg3[%arg1, %dma_wait3A_188, %dma_wait3A_189] : memref<16x165x128xi32, #tpu.memory_space<hbm>> -> memref<1x165x128xi32, #tpu.memory_space<hbm>>
      %dma_wait3A_191 = tpu.memref_squeeze %dma_wait3A_190 : memref<1x165x128xi32, #tpu.memory_space<hbm>> -> memref<165x128xi32, #tpu.memory_space<hbm>>
      %dma_wait3A_192 = arith.constant 0 : i32
      %dma_wait3A_193 = arith.constant 0 : i32
      %dma_wait3A_194 = tpu.memref_slice %arg3[%arg1, %dma_wait3A_192, %dma_wait3A_193] : memref<16x165x128xi32, #tpu.memory_space<hbm>> -> memref<1x165x128xi32, #tpu.memory_space<hbm>>
      %dma_wait3A_195 = tpu.memref_squeeze %dma_wait3A_194 : memref<1x165x128xi32, #tpu.memory_space<hbm>> -> memref<165x128xi32, #tpu.memory_space<hbm>>
      tpu.wait_dma2 semaphore(%run_scoped3A : memref<!tpu.dma_semaphore, #tpu.memory_space<semaphore_mem>>) src(%dma_wait3A_195 : memref<165x128xi32, #tpu.memory_space<hbm>>) dst(%arg8 : memref<165x128xi32, #tpu.memory_space<vmem>>)
      tpu.yield
    }) : () -> ()
    %dma_start3A = arith.constant 0 : i32
    %dma_start3A_0 = arith.constant 0 : i32
    %dma_start3A_1 = tpu.memref_slice %arg7[%dma_start3A, %dma_start3A_0] : memref<165x128xi32, #tpu.memory_space<vmem>> -> memref<1x128xi32, #tpu.memory_space<vmem>>
    %dma_start3A_2 = tpu.memref_squeeze %dma_start3A_1 : memref<1x128xi32, #tpu.memory_space<vmem>> -> memref<128xi32, #tpu.memory_space<vmem>>
    %dma_start3A_3 = arith.constant 0 : i32
    %dma_start3A_4 = arith.constant 0 : i32
    %dma_start3A_5 = tpu.memref_slice %arg4[%dma_start3A_3, %dma_start3A_4] : memref<20000x64xf32, #tpu.memory_space<hbm>> -> memref<20000x64xf32, #tpu.memory_space<hbm>>
    tpu.enqueue_indirect_dma source(%dma_start3A_5 : memref<20000x64xf32, #tpu.memory_space<hbm>>) target(%arg9 : memref<128x64xf32, #tpu.memory_space<vmem>>) offsets(%dma_start3A_2 : memref<128xi32, #tpu.memory_space<vmem>>) semaphore(%arg14 : memref<!tpu.dma_semaphore, #tpu.memory_space<semaphore_mem>>)
    %dma_start3A_6 = arith.constant 1 : i32
    %dma_start3A_7 = arith.constant 0 : i32
    %dma_start3A_8 = tpu.memref_slice %arg7[%dma_start3A_6, %dma_start3A_7] : memref<165x128xi32, #tpu.memory_space<vmem>> -> memref<1x128xi32, #tpu.memory_space<vmem>>
    %dma_start3A_9 = tpu.memref_squeeze %dma_start3A_8 : memref<1x128xi32, #tpu.memory_space<vmem>> -> memref<128xi32, #tpu.memory_space<vmem>>
    %dma_start3A_10 = arith.constant 0 : i32
    %dma_start3A_11 = arith.constant 0 : i32
    %dma_start3A_12 = tpu.memref_slice %arg4[%dma_start3A_10, %dma_start3A_11] : memref<20000x64xf32, #tpu.memory_space<hbm>> -> memref<20000x64xf32, #tpu.memory_space<hbm>>
    tpu.enqueue_indirect_dma source(%dma_start3A_12 : memref<20000x64xf32, #tpu.memory_space<hbm>>) target(%arg10 : memref<128x64xf32, #tpu.memory_space<vmem>>) offsets(%dma_start3A_9 : memref<128xi32, #tpu.memory_space<vmem>>) semaphore(%arg15 : memref<!tpu.dma_semaphore, #tpu.memory_space<semaphore_mem>>)
    %mul3A = arith.constant 632 : i32
    %mul3A_13 = arith.muli %arg1, %mul3A : i32
    %mul3A_14 = arith.constant 632 : i32
    %mul3A_15 = arith.muli %arg1, %mul3A_14 : i32
    "tpu.region"() ({
      %run_scoped3A = tpu.sem_alloc : memref<!tpu.dma_semaphore, #tpu.memory_space<semaphore_mem>>
      %dma_start3A_180 = arith.constant 0 : i32
      %dma_start3A_181 = tpu.memref_slice %arg24[%mul3A_15, %dma_start3A_180] : memref<10112x64xf32, #tpu.memory_space<vmem_shared>> -> memref<632x64xf32, #tpu.memory_space<vmem_shared>>
      %dma_start3A_182 = arith.constant 0 : i32
      %dma_start3A_183 = tpu.memref_slice %arg5[%mul3A_13, %dma_start3A_182] : memref<10112x64xf32, #tpu.memory_space<hbm>> -> memref<632x64xf32, #tpu.memory_space<hbm>>
      tpu.enqueue_dma source(%dma_start3A_183 : memref<632x64xf32, #tpu.memory_space<hbm>>) target(%dma_start3A_181 : memref<632x64xf32, #tpu.memory_space<vmem_shared>>) target_semaphore(%run_scoped3A : memref<!tpu.dma_semaphore, #tpu.memory_space<semaphore_mem>>)
      %dma_wait3A_184 = arith.constant 0 : i32
      %dma_wait3A_185 = tpu.memref_slice %arg24[%mul3A_15, %dma_wait3A_184] : memref<10112x64xf32, #tpu.memory_space<vmem_shared>> -> memref<632x64xf32, #tpu.memory_space<vmem_shared>>
      %dma_wait3A_186 = arith.constant 0 : i32
      %dma_wait3A_187 = tpu.memref_slice %arg5[%mul3A_13, %dma_wait3A_186] : memref<10112x64xf32, #tpu.memory_space<hbm>> -> memref<632x64xf32, #tpu.memory_space<hbm>>
      tpu.wait_dma2 semaphore(%run_scoped3A : memref<!tpu.dma_semaphore, #tpu.memory_space<semaphore_mem>>) src(%dma_wait3A_187 : memref<632x64xf32, #tpu.memory_space<hbm>>) dst(%dma_wait3A_185 : memref<632x64xf32, #tpu.memory_space<vmem_shared>>)
      tpu.yield
    }) : () -> ()
    %barrier3A = arith.constant 0 : index
    tpu.barrier barrier_id(%barrier3A)
    %dma_wait3A = arith.constant 0 : i32
    %dma_wait3A_16 = arith.constant 0 : i32
    %dma_wait3A_17 = tpu.memref_slice %arg7[%dma_wait3A, %dma_wait3A_16] : memref<165x128xi32, #tpu.memory_space<vmem>> -> memref<1x128xi32, #tpu.memory_space<vmem>>
    %dma_wait3A_18 = tpu.memref_squeeze %dma_wait3A_17 : memref<1x128xi32, #tpu.memory_space<vmem>> -> memref<128xi32, #tpu.memory_space<vmem>>
    %dma_wait3A_19 = arith.constant 0 : i32
    %dma_wait3A_20 = arith.constant 0 : i32
    %dma_wait3A_21 = tpu.memref_slice %arg4[%dma_wait3A_19, %dma_wait3A_20] : memref<20000x64xf32, #tpu.memory_space<hbm>> -> memref<20000x64xf32, #tpu.memory_space<hbm>>
    tpu.wait_indirect_dma semaphore(%arg14 : memref<!tpu.dma_semaphore, #tpu.memory_space<semaphore_mem>>) src(%dma_wait3A_21 : memref<20000x64xf32, #tpu.memory_space<hbm>>) dst(%arg9 : memref<128x64xf32, #tpu.memory_space<vmem>>)
    %dma_start3A_22 = arith.constant 0 : i32
    %dma_start3A_23 = arith.constant 0 : i32
    %dma_start3A_24 = tpu.memref_slice %arg8[%dma_start3A_22, %dma_start3A_23] : memref<165x128xi32, #tpu.memory_space<vmem>> -> memref<1x128xi32, #tpu.memory_space<vmem>>
    %dma_start3A_25 = tpu.memref_squeeze %dma_start3A_24 : memref<1x128xi32, #tpu.memory_space<vmem>> -> memref<128xi32, #tpu.memory_space<vmem>>
    %dma_start3A_26 = arith.constant 0 : i32
    %dma_start3A_27 = arith.constant 0 : i32
    %dma_start3A_28 = tpu.memref_slice %arg24[%dma_start3A_26, %dma_start3A_27] : memref<10112x64xf32, #tpu.memory_space<vmem_shared>> -> memref<10112x64xf32, #tpu.memory_space<vmem_shared>>
    tpu.enqueue_indirect_dma source(%arg9 : memref<128x64xf32, #tpu.memory_space<vmem>>) target(%dma_start3A_28 : memref<10112x64xf32, #tpu.memory_space<vmem_shared>>) offsets(%dma_start3A_25 : memref<128xi32, #tpu.memory_space<vmem>>) semaphore(%arg19 : memref<!tpu.dma_semaphore, #tpu.memory_space<semaphore_mem>>) {add = true}
    %dma_start3A_29 = arith.constant 2 : i32
    %dma_start3A_30 = arith.constant 0 : i32
    %dma_start3A_31 = tpu.memref_slice %arg7[%dma_start3A_29, %dma_start3A_30] : memref<165x128xi32, #tpu.memory_space<vmem>> -> memref<1x128xi32, #tpu.memory_space<vmem>>
    %dma_start3A_32 = tpu.memref_squeeze %dma_start3A_31 : memref<1x128xi32, #tpu.memory_space<vmem>> -> memref<128xi32, #tpu.memory_space<vmem>>
    %dma_start3A_33 = arith.constant 0 : i32
    %dma_start3A_34 = arith.constant 0 : i32
    %dma_start3A_35 = tpu.memref_slice %arg4[%dma_start3A_33, %dma_start3A_34] : memref<20000x64xf32, #tpu.memory_space<hbm>> -> memref<20000x64xf32, #tpu.memory_space<hbm>>
    tpu.enqueue_indirect_dma source(%dma_start3A_35 : memref<20000x64xf32, #tpu.memory_space<hbm>>) target(%arg11 : memref<128x64xf32, #tpu.memory_space<vmem>>) offsets(%dma_start3A_32 : memref<128xi32, #tpu.memory_space<vmem>>) semaphore(%arg16 : memref<!tpu.dma_semaphore, #tpu.memory_space<semaphore_mem>>)
    %dma_wait3A_36 = arith.constant 1 : i32
    %dma_wait3A_37 = arith.constant 0 : i32
    %dma_wait3A_38 = tpu.memref_slice %arg7[%dma_wait3A_36, %dma_wait3A_37] : memref<165x128xi32, #tpu.memory_space<vmem>> -> memref<1x128xi32, #tpu.memory_space<vmem>>
    %dma_wait3A_39 = tpu.memref_squeeze %dma_wait3A_38 : memref<1x128xi32, #tpu.memory_space<vmem>> -> memref<128xi32, #tpu.memory_space<vmem>>
    %dma_wait3A_40 = arith.constant 0 : i32
    %dma_wait3A_41 = arith.constant 0 : i32
    %dma_wait3A_42 = tpu.memref_slice %arg4[%dma_wait3A_40, %dma_wait3A_41] : memref<20000x64xf32, #tpu.memory_space<hbm>> -> memref<20000x64xf32, #tpu.memory_space<hbm>>
    tpu.wait_indirect_dma semaphore(%arg15 : memref<!tpu.dma_semaphore, #tpu.memory_space<semaphore_mem>>) src(%dma_wait3A_42 : memref<20000x64xf32, #tpu.memory_space<hbm>>) dst(%arg10 : memref<128x64xf32, #tpu.memory_space<vmem>>)
    %dma_start3A_43 = arith.constant 1 : i32
    %dma_start3A_44 = arith.constant 0 : i32
    %dma_start3A_45 = tpu.memref_slice %arg8[%dma_start3A_43, %dma_start3A_44] : memref<165x128xi32, #tpu.memory_space<vmem>> -> memref<1x128xi32, #tpu.memory_space<vmem>>
    %dma_start3A_46 = tpu.memref_squeeze %dma_start3A_45 : memref<1x128xi32, #tpu.memory_space<vmem>> -> memref<128xi32, #tpu.memory_space<vmem>>
    %dma_start3A_47 = arith.constant 0 : i32
    %dma_start3A_48 = arith.constant 0 : i32
    %dma_start3A_49 = tpu.memref_slice %arg24[%dma_start3A_47, %dma_start3A_48] : memref<10112x64xf32, #tpu.memory_space<vmem_shared>> -> memref<10112x64xf32, #tpu.memory_space<vmem_shared>>
    tpu.enqueue_indirect_dma source(%arg10 : memref<128x64xf32, #tpu.memory_space<vmem>>) target(%dma_start3A_49 : memref<10112x64xf32, #tpu.memory_space<vmem_shared>>) offsets(%dma_start3A_46 : memref<128xi32, #tpu.memory_space<vmem>>) semaphore(%arg20 : memref<!tpu.dma_semaphore, #tpu.memory_space<semaphore_mem>>) {add = true}
    %dma_start3A_50 = arith.constant 3 : i32
    %dma_start3A_51 = arith.constant 0 : i32
    %dma_start3A_52 = tpu.memref_slice %arg7[%dma_start3A_50, %dma_start3A_51] : memref<165x128xi32, #tpu.memory_space<vmem>> -> memref<1x128xi32, #tpu.memory_space<vmem>>
    %dma_start3A_53 = tpu.memref_squeeze %dma_start3A_52 : memref<1x128xi32, #tpu.memory_space<vmem>> -> memref<128xi32, #tpu.memory_space<vmem>>
    %dma_start3A_54 = arith.constant 0 : i32
    %dma_start3A_55 = arith.constant 0 : i32
    %dma_start3A_56 = tpu.memref_slice %arg4[%dma_start3A_54, %dma_start3A_55] : memref<20000x64xf32, #tpu.memory_space<hbm>> -> memref<20000x64xf32, #tpu.memory_space<hbm>>
    tpu.enqueue_indirect_dma source(%dma_start3A_56 : memref<20000x64xf32, #tpu.memory_space<hbm>>) target(%arg12 : memref<128x64xf32, #tpu.memory_space<vmem>>) offsets(%dma_start3A_53 : memref<128xi32, #tpu.memory_space<vmem>>) semaphore(%arg17 : memref<!tpu.dma_semaphore, #tpu.memory_space<semaphore_mem>>)
    %dma_wait3A_57 = arith.constant 2 : i32
    %dma_wait3A_58 = arith.constant 0 : i32
    %dma_wait3A_59 = tpu.memref_slice %arg7[%dma_wait3A_57, %dma_wait3A_58] : memref<165x128xi32, #tpu.memory_space<vmem>> -> memref<1x128xi32, #tpu.memory_space<vmem>>
    %dma_wait3A_60 = tpu.memref_squeeze %dma_wait3A_59 : memref<1x128xi32, #tpu.memory_space<vmem>> -> memref<128xi32, #tpu.memory_space<vmem>>
    %dma_wait3A_61 = arith.constant 0 : i32
    %dma_wait3A_62 = arith.constant 0 : i32
    %dma_wait3A_63 = tpu.memref_slice %arg4[%dma_wait3A_61, %dma_wait3A_62] : memref<20000x64xf32, #tpu.memory_space<hbm>> -> memref<20000x64xf32, #tpu.memory_space<hbm>>
    tpu.wait_indirect_dma semaphore(%arg16 : memref<!tpu.dma_semaphore, #tpu.memory_space<semaphore_mem>>) src(%dma_wait3A_63 : memref<20000x64xf32, #tpu.memory_space<hbm>>) dst(%arg11 : memref<128x64xf32, #tpu.memory_space<vmem>>)
    %dma_start3A_64 = arith.constant 2 : i32
    %dma_start3A_65 = arith.constant 0 : i32
    %dma_start3A_66 = tpu.memref_slice %arg8[%dma_start3A_64, %dma_start3A_65] : memref<165x128xi32, #tpu.memory_space<vmem>> -> memref<1x128xi32, #tpu.memory_space<vmem>>
    %dma_start3A_67 = tpu.memref_squeeze %dma_start3A_66 : memref<1x128xi32, #tpu.memory_space<vmem>> -> memref<128xi32, #tpu.memory_space<vmem>>
    %dma_start3A_68 = arith.constant 0 : i32
    %dma_start3A_69 = arith.constant 0 : i32
    %dma_start3A_70 = tpu.memref_slice %arg24[%dma_start3A_68, %dma_start3A_69] : memref<10112x64xf32, #tpu.memory_space<vmem_shared>> -> memref<10112x64xf32, #tpu.memory_space<vmem_shared>>
    tpu.enqueue_indirect_dma source(%arg11 : memref<128x64xf32, #tpu.memory_space<vmem>>) target(%dma_start3A_70 : memref<10112x64xf32, #tpu.memory_space<vmem_shared>>) offsets(%dma_start3A_67 : memref<128xi32, #tpu.memory_space<vmem>>) semaphore(%arg21 : memref<!tpu.dma_semaphore, #tpu.memory_space<semaphore_mem>>) {add = true}
    %dma_start3A_71 = arith.constant 4 : i32
    %dma_start3A_72 = arith.constant 0 : i32
    %dma_start3A_73 = tpu.memref_slice %arg7[%dma_start3A_71, %dma_start3A_72] : memref<165x128xi32, #tpu.memory_space<vmem>> -> memref<1x128xi32, #tpu.memory_space<vmem>>
    %dma_start3A_74 = tpu.memref_squeeze %dma_start3A_73 : memref<1x128xi32, #tpu.memory_space<vmem>> -> memref<128xi32, #tpu.memory_space<vmem>>
    %dma_start3A_75 = arith.constant 0 : i32
    %dma_start3A_76 = arith.constant 0 : i32
    %dma_start3A_77 = tpu.memref_slice %arg4[%dma_start3A_75, %dma_start3A_76] : memref<20000x64xf32, #tpu.memory_space<hbm>> -> memref<20000x64xf32, #tpu.memory_space<hbm>>
    tpu.enqueue_indirect_dma source(%dma_start3A_77 : memref<20000x64xf32, #tpu.memory_space<hbm>>) target(%arg13 : memref<128x64xf32, #tpu.memory_space<vmem>>) offsets(%dma_start3A_74 : memref<128xi32, #tpu.memory_space<vmem>>) semaphore(%arg18 : memref<!tpu.dma_semaphore, #tpu.memory_space<semaphore_mem>>)
    %dma_wait3A_78 = arith.constant 3 : i32
    %dma_wait3A_79 = arith.constant 0 : i32
    %dma_wait3A_80 = tpu.memref_slice %arg7[%dma_wait3A_78, %dma_wait3A_79] : memref<165x128xi32, #tpu.memory_space<vmem>> -> memref<1x128xi32, #tpu.memory_space<vmem>>
    %dma_wait3A_81 = tpu.memref_squeeze %dma_wait3A_80 : memref<1x128xi32, #tpu.memory_space<vmem>> -> memref<128xi32, #tpu.memory_space<vmem>>
    %dma_wait3A_82 = arith.constant 0 : i32
    %dma_wait3A_83 = arith.constant 0 : i32
    %dma_wait3A_84 = tpu.memref_slice %arg4[%dma_wait3A_82, %dma_wait3A_83] : memref<20000x64xf32, #tpu.memory_space<hbm>> -> memref<20000x64xf32, #tpu.memory_space<hbm>>
    tpu.wait_indirect_dma semaphore(%arg17 : memref<!tpu.dma_semaphore, #tpu.memory_space<semaphore_mem>>) src(%dma_wait3A_84 : memref<20000x64xf32, #tpu.memory_space<hbm>>) dst(%arg12 : memref<128x64xf32, #tpu.memory_space<vmem>>)
    %dma_start3A_85 = arith.constant 3 : i32
    %dma_start3A_86 = arith.constant 0 : i32
    %dma_start3A_87 = tpu.memref_slice %arg8[%dma_start3A_85, %dma_start3A_86] : memref<165x128xi32, #tpu.memory_space<vmem>> -> memref<1x128xi32, #tpu.memory_space<vmem>>
    %dma_start3A_88 = tpu.memref_squeeze %dma_start3A_87 : memref<1x128xi32, #tpu.memory_space<vmem>> -> memref<128xi32, #tpu.memory_space<vmem>>
    %dma_start3A_89 = arith.constant 0 : i32
    %dma_start3A_90 = arith.constant 0 : i32
    %dma_start3A_91 = tpu.memref_slice %arg24[%dma_start3A_89, %dma_start3A_90] : memref<10112x64xf32, #tpu.memory_space<vmem_shared>> -> memref<10112x64xf32, #tpu.memory_space<vmem_shared>>
    tpu.enqueue_indirect_dma source(%arg12 : memref<128x64xf32, #tpu.memory_space<vmem>>) target(%dma_start3A_91 : memref<10112x64xf32, #tpu.memory_space<vmem_shared>>) offsets(%dma_start3A_88 : memref<128xi32, #tpu.memory_space<vmem>>) semaphore(%arg22 : memref<!tpu.dma_semaphore, #tpu.memory_space<semaphore_mem>>) {add = true}
    %dma_wait3A_92 = arith.constant 0 : i32
    %dma_wait3A_93 = arith.constant 0 : i32
    %dma_wait3A_94 = tpu.memref_slice %arg8[%dma_wait3A_92, %dma_wait3A_93] : memref<165x128xi32, #tpu.memory_space<vmem>> -> memref<1x128xi32, #tpu.memory_space<vmem>>
    %dma_wait3A_95 = tpu.memref_squeeze %dma_wait3A_94 : memref<1x128xi32, #tpu.memory_space<vmem>> -> memref<128xi32, #tpu.memory_space<vmem>>
    %dma_wait3A_96 = arith.constant 0 : i32
    %dma_wait3A_97 = arith.constant 0 : i32
    %dma_wait3A_98 = tpu.memref_slice %arg24[%dma_wait3A_96, %dma_wait3A_97] : memref<10112x64xf32, #tpu.memory_space<vmem_shared>> -> memref<10112x64xf32, #tpu.memory_space<vmem_shared>>
    tpu.wait_indirect_dma semaphore(%arg19 : memref<!tpu.dma_semaphore, #tpu.memory_space<semaphore_mem>>) src(%arg9 : memref<128x64xf32, #tpu.memory_space<vmem>>) dst(%dma_wait3A_98 : memref<10112x64xf32, #tpu.memory_space<vmem_shared>>)
    %dma_start3A_99 = arith.constant 5 : i32
    %dma_start3A_100 = arith.constant 0 : i32
    %dma_start3A_101 = tpu.memref_slice %arg7[%dma_start3A_99, %dma_start3A_100] : memref<165x128xi32, #tpu.memory_space<vmem>> -> memref<1x128xi32, #tpu.memory_space<vmem>>
    %dma_start3A_102 = tpu.memref_squeeze %dma_start3A_101 : memref<1x128xi32, #tpu.memory_space<vmem>> -> memref<128xi32, #tpu.memory_space<vmem>>
    %dma_start3A_103 = arith.constant 0 : i32
    %dma_start3A_104 = arith.constant 0 : i32
    %dma_start3A_105 = tpu.memref_slice %arg4[%dma_start3A_103, %dma_start3A_104] : memref<20000x64xf32, #tpu.memory_space<hbm>> -> memref<20000x64xf32, #tpu.memory_space<hbm>>
    tpu.enqueue_indirect_dma source(%dma_start3A_105 : memref<20000x64xf32, #tpu.memory_space<hbm>>) target(%arg9 : memref<128x64xf32, #tpu.memory_space<vmem>>) offsets(%dma_start3A_102 : memref<128xi32, #tpu.memory_space<vmem>>) semaphore(%arg14 : memref<!tpu.dma_semaphore, #tpu.memory_space<semaphore_mem>>)
    %dma_wait3A_106 = arith.constant 4 : i32
    %dma_wait3A_107 = arith.constant 0 : i32
    %dma_wait3A_108 = tpu.memref_slice %arg7[%dma_wait3A_106, %dma_wait3A_107] : memref<165x128xi32, #tpu.memory_space<vmem>> -> memref<1x128xi32, #tpu.memory_space<vmem>>
    %dma_wait3A_109 = tpu.memref_squeeze %dma_wait3A_108 : memref<1x128xi32, #tpu.memory_space<vmem>> -> memref<128xi32, #tpu.memory_space<vmem>>
    %dma_wait3A_110 = arith.constant 0 : i32
    %dma_wait3A_111 = arith.constant 0 : i32
    %dma_wait3A_112 = tpu.memref_slice %arg4[%dma_wait3A_110, %dma_wait3A_111] : memref<20000x64xf32, #tpu.memory_space<hbm>> -> memref<20000x64xf32, #tpu.memory_space<hbm>>
    tpu.wait_indirect_dma semaphore(%arg18 : memref<!tpu.dma_semaphore, #tpu.memory_space<semaphore_mem>>) src(%dma_wait3A_112 : memref<20000x64xf32, #tpu.memory_space<hbm>>) dst(%arg13 : memref<128x64xf32, #tpu.memory_space<vmem>>)
    %dma_start3A_113 = arith.constant 4 : i32
    %dma_start3A_114 = arith.constant 0 : i32
    %dma_start3A_115 = tpu.memref_slice %arg8[%dma_start3A_113, %dma_start3A_114] : memref<165x128xi32, #tpu.memory_space<vmem>> -> memref<1x128xi32, #tpu.memory_space<vmem>>
    %dma_start3A_116 = tpu.memref_squeeze %dma_start3A_115 : memref<1x128xi32, #tpu.memory_space<vmem>> -> memref<128xi32, #tpu.memory_space<vmem>>
    %dma_start3A_117 = arith.constant 0 : i32
    %dma_start3A_118 = arith.constant 0 : i32
    %dma_start3A_119 = tpu.memref_slice %arg24[%dma_start3A_117, %dma_start3A_118] : memref<10112x64xf32, #tpu.memory_space<vmem_shared>> -> memref<10112x64xf32, #tpu.memory_space<vmem_shared>>
    tpu.enqueue_indirect_dma source(%arg13 : memref<128x64xf32, #tpu.memory_space<vmem>>) target(%dma_start3A_119 : memref<10112x64xf32, #tpu.memory_space<vmem_shared>>) offsets(%dma_start3A_116 : memref<128xi32, #tpu.memory_space<vmem>>) semaphore(%arg23 : memref<!tpu.dma_semaphore, #tpu.memory_space<semaphore_mem>>) {add = true}
    %dma_wait3A_120 = arith.constant 0 : i32
    %dma_wait3A_121 = arith.constant 0 : i32
    %dma_wait3A_122 = tpu.memref_slice %arg8[%dma_wait3A_120, %dma_wait3A_121] : memref<165x128xi32, #tpu.memory_space<vmem>> -> memref<1x128xi32, #tpu.memory_space<vmem>>
    %dma_wait3A_123 = tpu.memref_squeeze %dma_wait3A_122 : memref<1x128xi32, #tpu.memory_space<vmem>> -> memref<128xi32, #tpu.memory_space<vmem>>
    %dma_wait3A_124 = arith.constant 0 : i32
    %dma_wait3A_125 = arith.constant 0 : i32
    %dma_wait3A_126 = tpu.memref_slice %arg24[%dma_wait3A_124, %dma_wait3A_125] : memref<10112x64xf32, #tpu.memory_space<vmem_shared>> -> memref<10112x64xf32, #tpu.memory_space<vmem_shared>>
    tpu.wait_indirect_dma semaphore(%arg20 : memref<!tpu.dma_semaphore, #tpu.memory_space<semaphore_mem>>) src(%arg10 : memref<128x64xf32, #tpu.memory_space<vmem>>) dst(%dma_wait3A_126 : memref<10112x64xf32, #tpu.memory_space<vmem_shared>>)
    %dma_start3A_127 = arith.constant 6 : i32
    %dma_start3A_128 = arith.constant 0 : i32
    %dma_start3A_129 = tpu.memref_slice %arg7[%dma_start3A_127, %dma_start3A_128] : memref<165x128xi32, #tpu.memory_space<vmem>> -> memref<1x128xi32, #tpu.memory_space<vmem>>
    %dma_start3A_130 = tpu.memref_squeeze %dma_start3A_129 : memref<1x128xi32, #tpu.memory_space<vmem>> -> memref<128xi32, #tpu.memory_space<vmem>>
    %dma_start3A_131 = arith.constant 0 : i32
    %dma_start3A_132 = arith.constant 0 : i32
    %dma_start3A_133 = tpu.memref_slice %arg4[%dma_start3A_131, %dma_start3A_132] : memref<20000x64xf32, #tpu.memory_space<hbm>> -> memref<20000x64xf32, #tpu.memory_space<hbm>>
    tpu.enqueue_indirect_dma source(%dma_start3A_133 : memref<20000x64xf32, #tpu.memory_space<hbm>>) target(%arg10 : memref<128x64xf32, #tpu.memory_space<vmem>>) offsets(%dma_start3A_130 : memref<128xi32, #tpu.memory_space<vmem>>) semaphore(%arg15 : memref<!tpu.dma_semaphore, #tpu.memory_space<semaphore_mem>>)
    %scan3A = arith.constant 0 : i32
    %scan3A_134 = arith.constant 1 : i32
    %scan3A_135 = arith.constant 31 : i32
    %scan3A_136 = arith.addi %scan3A_134, %scan3A_135 : i32
    %scan3A_137 = arith.constant 1 : i32
    %scan3A_138 = scf.for %scan3A_180 = %scan3A_134 to %scan3A_136 step %scan3A_137 iter_args(%scan3A_181 = %scan3A) -> (i32)  : i32 {
      %mul3A_182 = arith.constant 5 : i32
      %mul3A_183 = arith.muli %scan3A_180, %mul3A_182 : i32
      %add3A = arith.constant 0 : i32
      %add3A_184 = arith.addi %mul3A_183, %add3A : i32
      %dma_wait3A_185 = arith.constant 0 : i32
      %dma_wait3A_186 = tpu.memref_slice %arg7[%add3A_184, %dma_wait3A_185] : memref<165x128xi32, #tpu.memory_space<vmem>> -> memref<1x128xi32, #tpu.memory_space<vmem>>
      %dma_wait3A_187 = tpu.memref_squeeze %dma_wait3A_186 : memref<1x128xi32, #tpu.memory_space<vmem>> -> memref<128xi32, #tpu.memory_space<vmem>>
      %dma_wait3A_188 = arith.constant 0 : i32
      %dma_wait3A_189 = arith.constant 0 : i32
      %dma_wait3A_190 = tpu.memref_slice %arg4[%dma_wait3A_188, %dma_wait3A_189] : memref<20000x64xf32, #tpu.memory_space<hbm>> -> memref<20000x64xf32, #tpu.memory_space<hbm>>
      tpu.wait_indirect_dma semaphore(%arg14 : memref<!tpu.dma_semaphore, #tpu.memory_space<semaphore_mem>>) src(%dma_wait3A_190 : memref<20000x64xf32, #tpu.memory_space<hbm>>) dst(%arg9 : memref<128x64xf32, #tpu.memory_space<vmem>>)
      %dma_start3A_191 = arith.constant 0 : i32
      %dma_start3A_192 = tpu.memref_slice %arg8[%add3A_184, %dma_start3A_191] : memref<165x128xi32, #tpu.memory_space<vmem>> -> memref<1x128xi32, #tpu.memory_space<vmem>>
      %dma_start3A_193 = tpu.memref_squeeze %dma_start3A_192 : memref<1x128xi32, #tpu.memory_space<vmem>> -> memref<128xi32, #tpu.memory_space<vmem>>
      %dma_start3A_194 = arith.constant 0 : i32
      %dma_start3A_195 = arith.constant 0 : i32
      %dma_start3A_196 = tpu.memref_slice %arg24[%dma_start3A_194, %dma_start3A_195] : memref<10112x64xf32, #tpu.memory_space<vmem_shared>> -> memref<10112x64xf32, #tpu.memory_space<vmem_shared>>
      tpu.enqueue_indirect_dma source(%arg9 : memref<128x64xf32, #tpu.memory_space<vmem>>) target(%dma_start3A_196 : memref<10112x64xf32, #tpu.memory_space<vmem_shared>>) offsets(%dma_start3A_193 : memref<128xi32, #tpu.memory_space<vmem>>) semaphore(%arg19 : memref<!tpu.dma_semaphore, #tpu.memory_space<semaphore_mem>>) {add = true}
      %dma_wait3A_197 = arith.constant 0 : i32
      %dma_wait3A_198 = arith.constant 0 : i32
      %dma_wait3A_199 = tpu.memref_slice %arg8[%dma_wait3A_197, %dma_wait3A_198] : memref<165x128xi32, #tpu.memory_space<vmem>> -> memref<1x128xi32, #tpu.memory_space<vmem>>
      %dma_wait3A_200 = tpu.memref_squeeze %dma_wait3A_199 : memref<1x128xi32, #tpu.memory_space<vmem>> -> memref<128xi32, #tpu.memory_space<vmem>>
      %dma_wait3A_201 = arith.constant 0 : i32
      %dma_wait3A_202 = arith.constant 0 : i32
      %dma_wait3A_203 = tpu.memref_slice %arg24[%dma_wait3A_201, %dma_wait3A_202] : memref<10112x64xf32, #tpu.memory_space<vmem_shared>> -> memref<10112x64xf32, #tpu.memory_space<vmem_shared>>
      tpu.wait_indirect_dma semaphore(%arg21 : memref<!tpu.dma_semaphore, #tpu.memory_space<semaphore_mem>>) src(%arg11 : memref<128x64xf32, #tpu.memory_space<vmem>>) dst(%dma_wait3A_203 : memref<10112x64xf32, #tpu.memory_space<vmem_shared>>)
      %add3A_204 = arith.constant 2 : i32
      %add3A_205 = arith.addi %add3A_184, %add3A_204 : i32
      %dma_start3A_206 = arith.constant 0 : i32
      %dma_start3A_207 = tpu.memref_slice %arg7[%add3A_205, %dma_start3A_206] : memref<165x128xi32, #tpu.memory_space<vmem>> -> memref<1x128xi32, #tpu.memory_space<vmem>>
      %dma_start3A_208 = tpu.memref_squeeze %dma_start3A_207 : memref<1x128xi32, #tpu.memory_space<vmem>> -> memref<128xi32, #tpu.memory_space<vmem>>
      %dma_start3A_209 = arith.constant 0 : i32
      %dma_start3A_210 = arith.constant 0 : i32
      %dma_start3A_211 = tpu.memref_slice %arg4[%dma_start3A_209, %dma_start3A_210] : memref<20000x64xf32, #tpu.memory_space<hbm>> -> memref<20000x64xf32, #tpu.memory_space<hbm>>
      tpu.enqueue_indirect_dma source(%dma_start3A_211 : memref<20000x64xf32, #tpu.memory_space<hbm>>) target(%arg11 : memref<128x64xf32, #tpu.memory_space<vmem>>) offsets(%dma_start3A_208 : memref<128xi32, #tpu.memory_space<vmem>>) semaphore(%arg16 : memref<!tpu.dma_semaphore, #tpu.memory_space<semaphore_mem>>)
      %mul3A_212 = arith.constant 5 : i32
      %mul3A_213 = arith.muli %scan3A_180, %mul3A_212 : i32
      %add3A_214 = arith.constant 1 : i32
      %add3A_215 = arith.addi %mul3A_213, %add3A_214 : i32
      %dma_wait3A_216 = arith.constant 0 : i32
      %dma_wait3A_217 = tpu.memref_slice %arg7[%add3A_215, %dma_wait3A_216] : memref<165x128xi32, #tpu.memory_space<vmem>> -> memref<1x128xi32, #tpu.memory_space<vmem>>
      %dma_wait3A_218 = tpu.memref_squeeze %dma_wait3A_217 : memref<1x128xi32, #tpu.memory_space<vmem>> -> memref<128xi32, #tpu.memory_space<vmem>>
      %dma_wait3A_219 = arith.constant 0 : i32
      %dma_wait3A_220 = arith.constant 0 : i32
      %dma_wait3A_221 = tpu.memref_slice %arg4[%dma_wait3A_219, %dma_wait3A_220] : memref<20000x64xf32, #tpu.memory_space<hbm>> -> memref<20000x64xf32, #tpu.memory_space<hbm>>
      tpu.wait_indirect_dma semaphore(%arg15 : memref<!tpu.dma_semaphore, #tpu.memory_space<semaphore_mem>>) src(%dma_wait3A_221 : memref<20000x64xf32, #tpu.memory_space<hbm>>) dst(%arg10 : memref<128x64xf32, #tpu.memory_space<vmem>>)
      %dma_start3A_222 = arith.constant 0 : i32
      %dma_start3A_223 = tpu.memref_slice %arg8[%add3A_215, %dma_start3A_222] : memref<165x128xi32, #tpu.memory_space<vmem>> -> memref<1x128xi32, #tpu.memory_space<vmem>>
      %dma_start3A_224 = tpu.memref_squeeze %dma_start3A_223 : memref<1x128xi32, #tpu.memory_space<vmem>> -> memref<128xi32, #tpu.memory_space<vmem>>
      %dma_start3A_225 = arith.constant 0 : i32
      %dma_start3A_226 = arith.constant 0 : i32
      %dma_start3A_227 = tpu.memref_slice %arg24[%dma_start3A_225, %dma_start3A_226] : memref<10112x64xf32, #tpu.memory_space<vmem_shared>> -> memref<10112x64xf32, #tpu.memory_space<vmem_shared>>
      tpu.enqueue_indirect_dma source(%arg10 : memref<128x64xf32, #tpu.memory_space<vmem>>) target(%dma_start3A_227 : memref<10112x64xf32, #tpu.memory_space<vmem_shared>>) offsets(%dma_start3A_224 : memref<128xi32, #tpu.memory_space<vmem>>) semaphore(%arg20 : memref<!tpu.dma_semaphore, #tpu.memory_space<semaphore_mem>>) {add = true}
      %dma_wait3A_228 = arith.constant 0 : i32
      %dma_wait3A_229 = arith.constant 0 : i32
      %dma_wait3A_230 = tpu.memref_slice %arg8[%dma_wait3A_228, %dma_wait3A_229] : memref<165x128xi32, #tpu.memory_space<vmem>> -> memref<1x128xi32, #tpu.memory_space<vmem>>
      %dma_wait3A_231 = tpu.memref_squeeze %dma_wait3A_230 : memref<1x128xi32, #tpu.memory_space<vmem>> -> memref<128xi32, #tpu.memory_space<vmem>>
      %dma_wait3A_232 = arith.constant 0 : i32
      %dma_wait3A_233 = arith.constant 0 : i32
      %dma_wait3A_234 = tpu.memref_slice %arg24[%dma_wait3A_232, %dma_wait3A_233] : memref<10112x64xf32, #tpu.memory_space<vmem_shared>> -> memref<10112x64xf32, #tpu.memory_space<vmem_shared>>
      tpu.wait_indirect_dma semaphore(%arg22 : memref<!tpu.dma_semaphore, #tpu.memory_space<semaphore_mem>>) src(%arg12 : memref<128x64xf32, #tpu.memory_space<vmem>>) dst(%dma_wait3A_234 : memref<10112x64xf32, #tpu.memory_space<vmem_shared>>)
      %add3A_235 = arith.constant 2 : i32
      %add3A_236 = arith.addi %add3A_215, %add3A_235 : i32
      %dma_start3A_237 = arith.constant 0 : i32
      %dma_start3A_238 = tpu.memref_slice %arg7[%add3A_236, %dma_start3A_237] : memref<165x128xi32, #tpu.memory_space<vmem>> -> memref<1x128xi32, #tpu.memory_space<vmem>>
      %dma_start3A_239 = tpu.memref_squeeze %dma_start3A_238 : memref<1x128xi32, #tpu.memory_space<vmem>> -> memref<128xi32, #tpu.memory_space<vmem>>
      %dma_start3A_240 = arith.constant 0 : i32
      %dma_start3A_241 = arith.constant 0 : i32
      %dma_start3A_242 = tpu.memref_slice %arg4[%dma_start3A_240, %dma_start3A_241] : memref<20000x64xf32, #tpu.memory_space<hbm>> -> memref<20000x64xf32, #tpu.memory_space<hbm>>
      tpu.enqueue_indirect_dma source(%dma_start3A_242 : memref<20000x64xf32, #tpu.memory_space<hbm>>) target(%arg12 : memref<128x64xf32, #tpu.memory_space<vmem>>) offsets(%dma_start3A_239 : memref<128xi32, #tpu.memory_space<vmem>>) semaphore(%arg17 : memref<!tpu.dma_semaphore, #tpu.memory_space<semaphore_mem>>)
      %mul3A_243 = arith.constant 5 : i32
      %mul3A_244 = arith.muli %scan3A_180, %mul3A_243 : i32
      %add3A_245 = arith.constant 2 : i32
      %add3A_246 = arith.addi %mul3A_244, %add3A_245 : i32
      %dma_wait3A_247 = arith.constant 0 : i32
      %dma_wait3A_248 = tpu.memref_slice %arg7[%add3A_246, %dma_wait3A_247] : memref<165x128xi32, #tpu.memory_space<vmem>> -> memref<1x128xi32, #tpu.memory_space<vmem>>
      %dma_wait3A_249 = tpu.memref_squeeze %dma_wait3A_248 : memref<1x128xi32, #tpu.memory_space<vmem>> -> memref<128xi32, #tpu.memory_space<vmem>>
      %dma_wait3A_250 = arith.constant 0 : i32
      %dma_wait3A_251 = arith.constant 0 : i32
      %dma_wait3A_252 = tpu.memref_slice %arg4[%dma_wait3A_250, %dma_wait3A_251] : memref<20000x64xf32, #tpu.memory_space<hbm>> -> memref<20000x64xf32, #tpu.memory_space<hbm>>
      tpu.wait_indirect_dma semaphore(%arg16 : memref<!tpu.dma_semaphore, #tpu.memory_space<semaphore_mem>>) src(%dma_wait3A_252 : memref<20000x64xf32, #tpu.memory_space<hbm>>) dst(%arg11 : memref<128x64xf32, #tpu.memory_space<vmem>>)
      %dma_start3A_253 = arith.constant 0 : i32
      %dma_start3A_254 = tpu.memref_slice %arg8[%add3A_246, %dma_start3A_253] : memref<165x128xi32, #tpu.memory_space<vmem>> -> memref<1x128xi32, #tpu.memory_space<vmem>>
      %dma_start3A_255 = tpu.memref_squeeze %dma_start3A_254 : memref<1x128xi32, #tpu.memory_space<vmem>> -> memref<128xi32, #tpu.memory_space<vmem>>
      %dma_start3A_256 = arith.constant 0 : i32
      %dma_start3A_257 = arith.constant 0 : i32
      %dma_start3A_258 = tpu.memref_slice %arg24[%dma_start3A_256, %dma_start3A_257] : memref<10112x64xf32, #tpu.memory_space<vmem_shared>> -> memref<10112x64xf32, #tpu.memory_space<vmem_shared>>
      tpu.enqueue_indirect_dma source(%arg11 : memref<128x64xf32, #tpu.memory_space<vmem>>) target(%dma_start3A_258 : memref<10112x64xf32, #tpu.memory_space<vmem_shared>>) offsets(%dma_start3A_255 : memref<128xi32, #tpu.memory_space<vmem>>) semaphore(%arg21 : memref<!tpu.dma_semaphore, #tpu.memory_space<semaphore_mem>>) {add = true}
      %dma_wait3A_259 = arith.constant 0 : i32
      %dma_wait3A_260 = arith.constant 0 : i32
      %dma_wait3A_261 = tpu.memref_slice %arg8[%dma_wait3A_259, %dma_wait3A_260] : memref<165x128xi32, #tpu.memory_space<vmem>> -> memref<1x128xi32, #tpu.memory_space<vmem>>
      %dma_wait3A_262 = tpu.memref_squeeze %dma_wait3A_261 : memref<1x128xi32, #tpu.memory_space<vmem>> -> memref<128xi32, #tpu.memory_space<vmem>>
      %dma_wait3A_263 = arith.constant 0 : i32
      %dma_wait3A_264 = arith.constant 0 : i32
      %dma_wait3A_265 = tpu.memref_slice %arg24[%dma_wait3A_263, %dma_wait3A_264] : memref<10112x64xf32, #tpu.memory_space<vmem_shared>> -> memref<10112x64xf32, #tpu.memory_space<vmem_shared>>
      tpu.wait_indirect_dma semaphore(%arg23 : memref<!tpu.dma_semaphore, #tpu.memory_space<semaphore_mem>>) src(%arg13 : memref<128x64xf32, #tpu.memory_space<vmem>>) dst(%dma_wait3A_265 : memref<10112x64xf32, #tpu.memory_space<vmem_shared>>)
      %add3A_266 = arith.constant 2 : i32
      %add3A_267 = arith.addi %add3A_246, %add3A_266 : i32
      %dma_start3A_268 = arith.constant 0 : i32
      %dma_start3A_269 = tpu.memref_slice %arg7[%add3A_267, %dma_start3A_268] : memref<165x128xi32, #tpu.memory_space<vmem>> -> memref<1x128xi32, #tpu.memory_space<vmem>>
      %dma_start3A_270 = tpu.memref_squeeze %dma_start3A_269 : memref<1x128xi32, #tpu.memory_space<vmem>> -> memref<128xi32, #tpu.memory_space<vmem>>
      %dma_start3A_271 = arith.constant 0 : i32
      %dma_start3A_272 = arith.constant 0 : i32
      %dma_start3A_273 = tpu.memref_slice %arg4[%dma_start3A_271, %dma_start3A_272] : memref<20000x64xf32, #tpu.memory_space<hbm>> -> memref<20000x64xf32, #tpu.memory_space<hbm>>
      tpu.enqueue_indirect_dma source(%dma_start3A_273 : memref<20000x64xf32, #tpu.memory_space<hbm>>) target(%arg13 : memref<128x64xf32, #tpu.memory_space<vmem>>) offsets(%dma_start3A_270 : memref<128xi32, #tpu.memory_space<vmem>>) semaphore(%arg18 : memref<!tpu.dma_semaphore, #tpu.memory_space<semaphore_mem>>)
      %mul3A_274 = arith.constant 5 : i32
      %mul3A_275 = arith.muli %scan3A_180, %mul3A_274 : i32
      %add3A_276 = arith.constant 3 : i32
      %add3A_277 = arith.addi %mul3A_275, %add3A_276 : i32
      %dma_wait3A_278 = arith.constant 0 : i32
      %dma_wait3A_279 = tpu.memref_slice %arg7[%add3A_277, %dma_wait3A_278] : memref<165x128xi32, #tpu.memory_space<vmem>> -> memref<1x128xi32, #tpu.memory_space<vmem>>
      %dma_wait3A_280 = tpu.memref_squeeze %dma_wait3A_279 : memref<1x128xi32, #tpu.memory_space<vmem>> -> memref<128xi32, #tpu.memory_space<vmem>>
      %dma_wait3A_281 = arith.constant 0 : i32
      %dma_wait3A_282 = arith.constant 0 : i32
      %dma_wait3A_283 = tpu.memref_slice %arg4[%dma_wait3A_281, %dma_wait3A_282] : memref<20000x64xf32, #tpu.memory_space<hbm>> -> memref<20000x64xf32, #tpu.memory_space<hbm>>
      tpu.wait_indirect_dma semaphore(%arg17 : memref<!tpu.dma_semaphore, #tpu.memory_space<semaphore_mem>>) src(%dma_wait3A_283 : memref<20000x64xf32, #tpu.memory_space<hbm>>) dst(%arg12 : memref<128x64xf32, #tpu.memory_space<vmem>>)
      %dma_start3A_284 = arith.constant 0 : i32
      %dma_start3A_285 = tpu.memref_slice %arg8[%add3A_277, %dma_start3A_284] : memref<165x128xi32, #tpu.memory_space<vmem>> -> memref<1x128xi32, #tpu.memory_space<vmem>>
      %dma_start3A_286 = tpu.memref_squeeze %dma_start3A_285 : memref<1x128xi32, #tpu.memory_space<vmem>> -> memref<128xi32, #tpu.memory_space<vmem>>
      %dma_start3A_287 = arith.constant 0 : i32
      %dma_start3A_288 = arith.constant 0 : i32
      %dma_start3A_289 = tpu.memref_slice %arg24[%dma_start3A_287, %dma_start3A_288] : memref<10112x64xf32, #tpu.memory_space<vmem_shared>> -> memref<10112x64xf32, #tpu.memory_space<vmem_shared>>
      tpu.enqueue_indirect_dma source(%arg12 : memref<128x64xf32, #tpu.memory_space<vmem>>) target(%dma_start3A_289 : memref<10112x64xf32, #tpu.memory_space<vmem_shared>>) offsets(%dma_start3A_286 : memref<128xi32, #tpu.memory_space<vmem>>) semaphore(%arg22 : memref<!tpu.dma_semaphore, #tpu.memory_space<semaphore_mem>>) {add = true}
      %dma_wait3A_290 = arith.constant 0 : i32
      %dma_wait3A_291 = arith.constant 0 : i32
      %dma_wait3A_292 = tpu.memref_slice %arg8[%dma_wait3A_290, %dma_wait3A_291] : memref<165x128xi32, #tpu.memory_space<vmem>> -> memref<1x128xi32, #tpu.memory_space<vmem>>
      %dma_wait3A_293 = tpu.memref_squeeze %dma_wait3A_292 : memref<1x128xi32, #tpu.memory_space<vmem>> -> memref<128xi32, #tpu.memory_space<vmem>>
      %dma_wait3A_294 = arith.constant 0 : i32
      %dma_wait3A_295 = arith.constant 0 : i32
      %dma_wait3A_296 = tpu.memref_slice %arg24[%dma_wait3A_294, %dma_wait3A_295] : memref<10112x64xf32, #tpu.memory_space<vmem_shared>> -> memref<10112x64xf32, #tpu.memory_space<vmem_shared>>
      tpu.wait_indirect_dma semaphore(%arg19 : memref<!tpu.dma_semaphore, #tpu.memory_space<semaphore_mem>>) src(%arg9 : memref<128x64xf32, #tpu.memory_space<vmem>>) dst(%dma_wait3A_296 : memref<10112x64xf32, #tpu.memory_space<vmem_shared>>)
      %add3A_297 = arith.constant 2 : i32
      %add3A_298 = arith.addi %add3A_277, %add3A_297 : i32
      %dma_start3A_299 = arith.constant 0 : i32
      %dma_start3A_300 = tpu.memref_slice %arg7[%add3A_298, %dma_start3A_299] : memref<165x128xi32, #tpu.memory_space<vmem>> -> memref<1x128xi32, #tpu.memory_space<vmem>>
      %dma_start3A_301 = tpu.memref_squeeze %dma_start3A_300 : memref<1x128xi32, #tpu.memory_space<vmem>> -> memref<128xi32, #tpu.memory_space<vmem>>
      %dma_start3A_302 = arith.constant 0 : i32
      %dma_start3A_303 = arith.constant 0 : i32
      %dma_start3A_304 = tpu.memref_slice %arg4[%dma_start3A_302, %dma_start3A_303] : memref<20000x64xf32, #tpu.memory_space<hbm>> -> memref<20000x64xf32, #tpu.memory_space<hbm>>
      tpu.enqueue_indirect_dma source(%dma_start3A_304 : memref<20000x64xf32, #tpu.memory_space<hbm>>) target(%arg9 : memref<128x64xf32, #tpu.memory_space<vmem>>) offsets(%dma_start3A_301 : memref<128xi32, #tpu.memory_space<vmem>>) semaphore(%arg14 : memref<!tpu.dma_semaphore, #tpu.memory_space<semaphore_mem>>)
      %mul3A_305 = arith.constant 5 : i32
      %mul3A_306 = arith.muli %scan3A_180, %mul3A_305 : i32
      %add3A_307 = arith.constant 4 : i32
      %add3A_308 = arith.addi %mul3A_306, %add3A_307 : i32
      %dma_wait3A_309 = arith.constant 0 : i32
      %dma_wait3A_310 = tpu.memref_slice %arg7[%add3A_308, %dma_wait3A_309] : memref<165x128xi32, #tpu.memory_space<vmem>> -> memref<1x128xi32, #tpu.memory_space<vmem>>
      %dma_wait3A_311 = tpu.memref_squeeze %dma_wait3A_310 : memref<1x128xi32, #tpu.memory_space<vmem>> -> memref<128xi32, #tpu.memory_space<vmem>>
      %dma_wait3A_312 = arith.constant 0 : i32
      %dma_wait3A_313 = arith.constant 0 : i32
      %dma_wait3A_314 = tpu.memref_slice %arg4[%dma_wait3A_312, %dma_wait3A_313] : memref<20000x64xf32, #tpu.memory_space<hbm>> -> memref<20000x64xf32, #tpu.memory_space<hbm>>
      tpu.wait_indirect_dma semaphore(%arg18 : memref<!tpu.dma_semaphore, #tpu.memory_space<semaphore_mem>>) src(%dma_wait3A_314 : memref<20000x64xf32, #tpu.memory_space<hbm>>) dst(%arg13 : memref<128x64xf32, #tpu.memory_space<vmem>>)
      %dma_start3A_315 = arith.constant 0 : i32
      %dma_start3A_316 = tpu.memref_slice %arg8[%add3A_308, %dma_start3A_315] : memref<165x128xi32, #tpu.memory_space<vmem>> -> memref<1x128xi32, #tpu.memory_space<vmem>>
      %dma_start3A_317 = tpu.memref_squeeze %dma_start3A_316 : memref<1x128xi32, #tpu.memory_space<vmem>> -> memref<128xi32, #tpu.memory_space<vmem>>
      %dma_start3A_318 = arith.constant 0 : i32
      %dma_start3A_319 = arith.constant 0 : i32
      %dma_start3A_320 = tpu.memref_slice %arg24[%dma_start3A_318, %dma_start3A_319] : memref<10112x64xf32, #tpu.memory_space<vmem_shared>> -> memref<10112x64xf32, #tpu.memory_space<vmem_shared>>
      tpu.enqueue_indirect_dma source(%arg13 : memref<128x64xf32, #tpu.memory_space<vmem>>) target(%dma_start3A_320 : memref<10112x64xf32, #tpu.memory_space<vmem_shared>>) offsets(%dma_start3A_317 : memref<128xi32, #tpu.memory_space<vmem>>) semaphore(%arg23 : memref<!tpu.dma_semaphore, #tpu.memory_space<semaphore_mem>>) {add = true}
      %dma_wait3A_321 = arith.constant 0 : i32
      %dma_wait3A_322 = arith.constant 0 : i32
      %dma_wait3A_323 = tpu.memref_slice %arg8[%dma_wait3A_321, %dma_wait3A_322] : memref<165x128xi32, #tpu.memory_space<vmem>> -> memref<1x128xi32, #tpu.memory_space<vmem>>
      %dma_wait3A_324 = tpu.memref_squeeze %dma_wait3A_323 : memref<1x128xi32, #tpu.memory_space<vmem>> -> memref<128xi32, #tpu.memory_space<vmem>>
      %dma_wait3A_325 = arith.constant 0 : i32
      %dma_wait3A_326 = arith.constant 0 : i32
      %dma_wait3A_327 = tpu.memref_slice %arg24[%dma_wait3A_325, %dma_wait3A_326] : memref<10112x64xf32, #tpu.memory_space<vmem_shared>> -> memref<10112x64xf32, #tpu.memory_space<vmem_shared>>
      tpu.wait_indirect_dma semaphore(%arg20 : memref<!tpu.dma_semaphore, #tpu.memory_space<semaphore_mem>>) src(%arg10 : memref<128x64xf32, #tpu.memory_space<vmem>>) dst(%dma_wait3A_327 : memref<10112x64xf32, #tpu.memory_space<vmem_shared>>)
      %add3A_328 = arith.constant 2 : i32
      %add3A_329 = arith.addi %add3A_308, %add3A_328 : i32
      %dma_start3A_330 = arith.constant 0 : i32
      %dma_start3A_331 = tpu.memref_slice %arg7[%add3A_329, %dma_start3A_330] : memref<165x128xi32, #tpu.memory_space<vmem>> -> memref<1x128xi32, #tpu.memory_space<vmem>>
      %dma_start3A_332 = tpu.memref_squeeze %dma_start3A_331 : memref<1x128xi32, #tpu.memory_space<vmem>> -> memref<128xi32, #tpu.memory_space<vmem>>
      %dma_start3A_333 = arith.constant 0 : i32
      %dma_start3A_334 = arith.constant 0 : i32
      %dma_start3A_335 = tpu.memref_slice %arg4[%dma_start3A_333, %dma_start3A_334] : memref<20000x64xf32, #tpu.memory_space<hbm>> -> memref<20000x64xf32, #tpu.memory_space<hbm>>
      tpu.enqueue_indirect_dma source(%dma_start3A_335 : memref<20000x64xf32, #tpu.memory_space<hbm>>) target(%arg10 : memref<128x64xf32, #tpu.memory_space<vmem>>) offsets(%dma_start3A_332 : memref<128xi32, #tpu.memory_space<vmem>>) semaphore(%arg15 : memref<!tpu.dma_semaphore, #tpu.memory_space<semaphore_mem>>)
      %scan3A_336 = arith.constant 0 : i32
      scf.yield %scan3A_336 : i32
    }
    %scan3A_139 = arith.constant 31 : i32
    %dma_wait3A_140 = arith.constant 0 : i32
    %dma_wait3A_141 = arith.constant 0 : i32
    %dma_wait3A_142 = tpu.memref_slice %arg8[%dma_wait3A_140, %dma_wait3A_141] : memref<165x128xi32, #tpu.memory_space<vmem>> -> memref<1x128xi32, #tpu.memory_space<vmem>>
    %dma_wait3A_143 = tpu.memref_squeeze %dma_wait3A_142 : memref<1x128xi32, #tpu.memory_space<vmem>> -> memref<128xi32, #tpu.memory_space<vmem>>
    %dma_wait3A_144 = arith.constant 0 : i32
    %dma_wait3A_145 = arith.constant 0 : i32
    %dma_wait3A_146 = tpu.memref_slice %arg24[%dma_wait3A_144, %dma_wait3A_145] : memref<10112x64xf32, #tpu.memory_space<vmem_shared>> -> memref<10112x64xf32, #tpu.memory_space<vmem_shared>>
    tpu.wait_indirect_dma semaphore(%arg21 : memref<!tpu.dma_semaphore, #tpu.memory_space<semaphore_mem>>) src(%arg11 : memref<128x64xf32, #tpu.memory_space<vmem>>) dst(%dma_wait3A_146 : memref<10112x64xf32, #tpu.memory_space<vmem_shared>>)
    %dma_wait3A_147 = arith.constant 0 : i32
    %dma_wait3A_148 = arith.constant 0 : i32
    %dma_wait3A_149 = tpu.memref_slice %arg8[%dma_wait3A_147, %dma_wait3A_148] : memref<165x128xi32, #tpu.memory_space<vmem>> -> memref<1x128xi32, #tpu.memory_space<vmem>>
    %dma_wait3A_150 = tpu.memref_squeeze %dma_wait3A_149 : memref<1x128xi32, #tpu.memory_space<vmem>> -> memref<128xi32, #tpu.memory_space<vmem>>
    %dma_wait3A_151 = arith.constant 0 : i32
    %dma_wait3A_152 = arith.constant 0 : i32
    %dma_wait3A_153 = tpu.memref_slice %arg24[%dma_wait3A_151, %dma_wait3A_152] : memref<10112x64xf32, #tpu.memory_space<vmem_shared>> -> memref<10112x64xf32, #tpu.memory_space<vmem_shared>>
    tpu.wait_indirect_dma semaphore(%arg22 : memref<!tpu.dma_semaphore, #tpu.memory_space<semaphore_mem>>) src(%arg12 : memref<128x64xf32, #tpu.memory_space<vmem>>) dst(%dma_wait3A_153 : memref<10112x64xf32, #tpu.memory_space<vmem_shared>>)
    %dma_wait3A_154 = arith.constant 0 : i32
    %dma_wait3A_155 = arith.constant 0 : i32
    %dma_wait3A_156 = tpu.memref_slice %arg8[%dma_wait3A_154, %dma_wait3A_155] : memref<165x128xi32, #tpu.memory_space<vmem>> -> memref<1x128xi32, #tpu.memory_space<vmem>>
    %dma_wait3A_157 = tpu.memref_squeeze %dma_wait3A_156 : memref<1x128xi32, #tpu.memory_space<vmem>> -> memref<128xi32, #tpu.memory_space<vmem>>
    %dma_wait3A_158 = arith.constant 0 : i32
    %dma_wait3A_159 = arith.constant 0 : i32
    %dma_wait3A_160 = tpu.memref_slice %arg24[%dma_wait3A_158, %dma_wait3A_159] : memref<10112x64xf32, #tpu.memory_space<vmem_shared>> -> memref<10112x64xf32, #tpu.memory_space<vmem_shared>>
    tpu.wait_indirect_dma semaphore(%arg23 : memref<!tpu.dma_semaphore, #tpu.memory_space<semaphore_mem>>) src(%arg13 : memref<128x64xf32, #tpu.memory_space<vmem>>) dst(%dma_wait3A_160 : memref<10112x64xf32, #tpu.memory_space<vmem_shared>>)
    %dma_wait3A_161 = arith.constant 160 : i32
    %dma_wait3A_162 = arith.constant 0 : i32
    %dma_wait3A_163 = tpu.memref_slice %arg7[%dma_wait3A_161, %dma_wait3A_162] : memref<165x128xi32, #tpu.memory_space<vmem>> -> memref<1x128xi32, #tpu.memory_space<vmem>>
    %dma_wait3A_164 = tpu.memref_squeeze %dma_wait3A_163 : memref<1x128xi32, #tpu.memory_space<vmem>> -> memref<128xi32, #tpu.memory_space<vmem>>
    %dma_wait3A_165 = arith.constant 0 : i32
    %dma_wait3A_166 = arith.constant 0 : i32
    %dma_wait3A_167 = tpu.memref_slice %arg4[%dma_wait3A_165, %dma_wait3A_166] : memref<20000x64xf32, #tpu.memory_space<hbm>> -> memref<20000x64xf32, #tpu.memory_space<hbm>>
    tpu.wait_indirect_dma semaphore(%arg14 : memref<!tpu.dma_semaphore, #tpu.memory_space<semaphore_mem>>) src(%dma_wait3A_167 : memref<20000x64xf32, #tpu.memory_space<hbm>>) dst(%arg9 : memref<128x64xf32, #tpu.memory_space<vmem>>)
    %dma_wait3A_168 = arith.constant 161 : i32
    %dma_wait3A_169 = arith.constant 0 : i32
    %dma_wait3A_170 = tpu.memref_slice %arg7[%dma_wait3A_168, %dma_wait3A_169] : memref<165x128xi32, #tpu.memory_space<vmem>> -> memref<1x128xi32, #tpu.memory_space<vmem>>
    %dma_wait3A_171 = tpu.memref_squeeze %dma_wait3A_170 : memref<1x128xi32, #tpu.memory_space<vmem>> -> memref<128xi32, #tpu.memory_space<vmem>>
    %dma_wait3A_172 = arith.constant 0 : i32
    %dma_wait3A_173 = arith.constant 0 : i32
    %dma_wait3A_174 = tpu.memref_slice %arg4[%dma_wait3A_172, %dma_wait3A_173] : memref<20000x64xf32, #tpu.memory_space<hbm>> -> memref<20000x64xf32, #tpu.memory_space<hbm>>
    tpu.wait_indirect_dma semaphore(%arg15 : memref<!tpu.dma_semaphore, #tpu.memory_space<semaphore_mem>>) src(%dma_wait3A_174 : memref<20000x64xf32, #tpu.memory_space<hbm>>) dst(%arg10 : memref<128x64xf32, #tpu.memory_space<vmem>>)
    %barrier3A_175 = arith.constant 0 : index
    tpu.barrier barrier_id(%barrier3A_175)
    %mul3A_176 = arith.constant 632 : i32
    %mul3A_177 = arith.muli %arg1, %mul3A_176 : i32
    %mul3A_178 = arith.constant 632 : i32
    %mul3A_179 = arith.muli %arg1, %mul3A_178 : i32
    "tpu.region"() ({
      %run_scoped3A = tpu.sem_alloc : memref<!tpu.dma_semaphore, #tpu.memory_space<semaphore_mem>>
      %dma_start3A_180 = arith.constant 0 : i32
      %dma_start3A_181 = tpu.memref_slice %arg6[%arg0, %mul3A_179, %dma_start3A_180] : memref<2x10112x64xf32, #tpu.memory_space<hbm>> -> memref<1x632x64xf32, #tpu.memory_space<hbm>>
      %dma_start3A_182 = tpu.memref_squeeze %dma_start3A_181 : memref<1x632x64xf32, #tpu.memory_space<hbm>> -> memref<632x64xf32, #tpu.memory_space<hbm>>
      %dma_start3A_183 = arith.constant 0 : i32
      %dma_start3A_184 = tpu.memref_slice %arg24[%mul3A_177, %dma_start3A_183] : memref<10112x64xf32, #tpu.memory_space<vmem_shared>> -> memref<632x64xf32, #tpu.memory_space<vmem_shared>>
      tpu.enqueue_dma source(%dma_start3A_184 : memref<632x64xf32, #tpu.memory_space<vmem_shared>>) target(%dma_start3A_182 : memref<632x64xf32, #tpu.memory_space<hbm>>) target_semaphore(%run_scoped3A : memref<!tpu.dma_semaphore, #tpu.memory_space<semaphore_mem>>)
      %dma_wait3A_185 = arith.constant 0 : i32
      %dma_wait3A_186 = tpu.memref_slice %arg6[%arg0, %mul3A_179, %dma_wait3A_185] : memref<2x10112x64xf32, #tpu.memory_space<hbm>> -> memref<1x632x64xf32, #tpu.memory_space<hbm>>
      %dma_wait3A_187 = tpu.memref_squeeze %dma_wait3A_186 : memref<1x632x64xf32, #tpu.memory_space<hbm>> -> memref<632x64xf32, #tpu.memory_space<hbm>>
      %dma_wait3A_188 = arith.constant 0 : i32
      %dma_wait3A_189 = tpu.memref_slice %arg24[%mul3A_177, %dma_wait3A_188] : memref<10112x64xf32, #tpu.memory_space<vmem_shared>> -> memref<632x64xf32, #tpu.memory_space<vmem_shared>>
      tpu.wait_dma2 semaphore(%run_scoped3A : memref<!tpu.dma_semaphore, #tpu.memory_space<semaphore_mem>>) src(%dma_wait3A_189 : memref<632x64xf32, #tpu.memory_space<vmem_shared>>) dst(%dma_wait3A_187 : memref<632x64xf32, #tpu.memory_space<hbm>>)
      tpu.yield
    }) : () -> ()
    return
  }
}

module attributes {stable_mosaic.version = 14 : i64} {
  func.func @_xs_body(%arg0: i32, %arg1: memref<2000x32xf32, #tpu.memory_space<vmem>>, %arg2: memref<2000x128xf32, #tpu.memory_space<vmem>>, %arg3: memref<2x2000x64xf32, #tpu.memory_space<vmem>>, %arg4: memref<2000x8xf32, #tpu.memory_space<vmem>>) attributes {dimension_semantics = [#tpu.dimension_semantics<arbitrary>], iteration_bounds = array<i64: 5>, scalar_prefetch = 0 : i64, scratch_operands = 0 : i64, tpu.core_type = #tpu.core_type<tc>, window_params = [{transform_indices = @transform_0, window_bounds = array<i64: 2000, 32>}, {transform_indices = @transform_1, window_bounds = array<i64: 2000, 128>}, {transform_indices = @transform_2, window_bounds = array<i64: 2, 2000, 64>}, {transform_indices = @transform_3, window_bounds = array<i64: 2000, 8>}]} {
    %get3A = arith.constant 0 : index
    %get3A_0 = arith.constant 0 : index
    %get3A_1 = vector.load %arg1[%get3A, %get3A_0] : memref<2000x32xf32, #tpu.memory_space<vmem>>, vector<2000x32xf32>
    %reduce_sum3A = arith.constant dense<0.000000e+00> : vector<2000xf32>
    %reduce_sum3A_2 = vector.multi_reduction <add>, %get3A_1, %reduce_sum3A [1] : vector<2000x32xf32> to vector<2000xf32>
    %add3A = arith.constant 1.000000e+00 : f32
    %add3A_3 = vector.broadcast %add3A : f32 to vector<2000xf32>
    %add3A_4 = arith.addf %reduce_sum3A_2, %add3A_3 : vector<2000xf32>
    %rsqrt3A = math.rsqrt %add3A_4 : vector<2000xf32>
    %get3A_5 = arith.constant 0 : index
    %get3A_6 = arith.constant 0 : index
    %get3A_7 = vector.load %arg2[%get3A_5, %get3A_6] : memref<2000x128xf32, #tpu.memory_space<vmem>>, vector<2000x128xf32>
    %broadcast_in_dim3A = vector.shape_cast %rsqrt3A : vector<2000xf32> to vector<2000x1xf32>
    %mul3A = vector.broadcast %broadcast_in_dim3A : vector<2000x1xf32> to vector<2000x128xf32>
    %mul3A_8 = arith.mulf %get3A_7, %mul3A : vector<2000x128xf32>
    %slice3A = vector.extract_strided_slice %mul3A_8 {offsets = [0, 0], sizes = [2000, 64], strides = [1, 1]} : vector<2000x128xf32> to vector<2000x64xf32>
    %swap3A = arith.constant 0 : index
    %swap3A_9 = arith.constant 0 : index
    %swap3A_10 = arith.constant 0 : index
    %swap3A_11 = vector.load %arg3[%swap3A, %swap3A_9, %swap3A_10] : memref<2x2000x64xf32, #tpu.memory_space<vmem>>, vector<1x2000x64xf32>
    %swap3A_12 = vector.shape_cast %swap3A_11 : vector<1x2000x64xf32> to vector<2000x64xf32>
    %swap3A_13 = vector.shape_cast %slice3A : vector<2000x64xf32> to vector<1x2000x64xf32>
    tpu.vector_store %arg3[%swap3A, %swap3A_9, %swap3A_10], %swap3A_13 {strides = array<i32>} : memref<2x2000x64xf32, #tpu.memory_space<vmem>>, vector<1x2000x64xf32>,
    %slice3A_14 = vector.extract_strided_slice %mul3A_8 {offsets = [0, 64], sizes = [2000, 64], strides = [1, 1]} : vector<2000x128xf32> to vector<2000x64xf32>
    %swap3A_15 = arith.constant 1 : index
    %swap3A_16 = arith.constant 0 : index
    %swap3A_17 = arith.constant 0 : index
    %swap3A_18 = vector.load %arg3[%swap3A_15, %swap3A_16, %swap3A_17] : memref<2x2000x64xf32, #tpu.memory_space<vmem>>, vector<1x2000x64xf32>
    %swap3A_19 = vector.shape_cast %swap3A_18 : vector<1x2000x64xf32> to vector<2000x64xf32>
    %swap3A_20 = vector.shape_cast %slice3A_14 : vector<2000x64xf32> to vector<1x2000x64xf32>
    tpu.vector_store %arg3[%swap3A_15, %swap3A_16, %swap3A_17], %swap3A_20 {strides = array<i32>} : memref<2x2000x64xf32, #tpu.memory_space<vmem>>, vector<1x2000x64xf32>,
    %broadcast_in_dim3A_21 = vector.shape_cast %rsqrt3A : vector<2000xf32> to vector<2000x1xf32>
    %broadcast_in_dim3A_22 = vector.shape_cast %broadcast_in_dim3A_21 : vector<2000x1xf32> to vector<2000x1xf32>
    %broadcast_in_dim3A_23 = vector.broadcast %broadcast_in_dim3A_22 : vector<2000x1xf32> to vector<2000x8xf32>
    %swap3A_24 = arith.constant 0 : index
    %swap3A_25 = arith.constant 0 : index
    %swap3A_26 = vector.load %arg4[%swap3A_24, %swap3A_25] : memref<2000x8xf32, #tpu.memory_space<vmem>>, vector<2000x8xf32>
    tpu.vector_store %arg4[%swap3A_24, %swap3A_25], %broadcast_in_dim3A_23 {strides = array<i32>} : memref<2000x8xf32, #tpu.memory_space<vmem>>, vector<2000x8xf32>,
    return
  }
  func.func @transform_0(%arg0: i32) -> (i32, i32) {
    %c0_i32 = arith.constant 0 : i32
    %c0_i32_0 = arith.constant 0 : i32
    return %arg0, %c0_i32 : i32, i32
  }
  func.func @transform_1(%arg0: i32) -> (i32, i32) {
    %c0_i32 = arith.constant 0 : i32
    %c0_i32_0 = arith.constant 0 : i32
    return %arg0, %c0_i32 : i32, i32
  }
  func.func @transform_2(%arg0: i32) -> (i32, i32, i32) {
    %c0_i32 = arith.constant 0 : i32
    %c0_i32_0 = arith.constant 0 : i32
    %c0_i32_1 = arith.constant 0 : i32
    return %c0_i32, %arg0, %c0_i32_0 : i32, i32, i32
  }
  func.func @transform_3(%arg0: i32) -> (i32, i32) {
    %c0_i32 = arith.constant 0 : i32
    %c0_i32_0 = arith.constant 0 : i32
    return %arg0, %c0_i32 : i32, i32
  }
}

module attributes {stable_mosaic.version = 14 : i64} {
  func.func @_mid_body(%arg0: i32, %arg1: memref<2000x8xf32, #tpu.memory_space<vmem>>, %arg2: memref<2x2000x64xf32, #tpu.memory_space<vmem>>, %arg3: memref<2x2000x64xf32, #tpu.memory_space<vmem>>, %arg4: memref<128x256xf32, #tpu.memory_space<vmem>>, %arg5: memref<8x256xf32, #tpu.memory_space<vmem>>, %arg6: memref<256x16xf32, #tpu.memory_space<vmem>>, %arg7: memref<2000x16xf32, #tpu.memory_space<vmem>>) attributes {dimension_semantics = [#tpu.dimension_semantics<arbitrary>], iteration_bounds = array<i64: 5>, scalar_prefetch = 0 : i64, scratch_operands = 0 : i64, tpu.core_type = #tpu.core_type<tc>, window_params = [{transform_indices = @transform_0, window_bounds = array<i64: 2000, 8>}, {transform_indices = @transform_1, window_bounds = array<i64: 2, 2000, 64>}, {transform_indices = @transform_2, window_bounds = array<i64: 2, 2000, 64>}, {pipeline_mode = #tpu.pipeline_mode<synchronous>, transform_indices = @transform_3, window_bounds = array<i64: 128, 256>}, {pipeline_mode = #tpu.pipeline_mode<synchronous>, transform_indices = @transform_4, window_bounds = array<i64: 8, 256>}, {pipeline_mode = #tpu.pipeline_mode<synchronous>, transform_indices = @transform_5, window_bounds = array<i64: 256, 16>}, {transform_indices = @transform_6, window_bounds = array<i64: 2000, 16>}]} {
    %get3A = arith.constant 0 : index
    %get3A_0 = arith.constant 0 : index
    %get3A_1 = vector.load %arg1[%get3A, %get3A_0] : memref<2000x8xf32, #tpu.memory_space<vmem>>, vector<2000x8xf32>
    %slice3A = vector.extract_strided_slice %get3A_1 {offsets = [0, 0], sizes = [2000, 1], strides = [1, 1]} : vector<2000x8xf32> to vector<2000x1xf32>
    %squeeze3A = vector.shape_cast %slice3A : vector<2000x1xf32> to vector<2000xf32>
    %get3A_2 = arith.constant 0 : index
    %get3A_3 = arith.constant 0 : index
    %get3A_4 = arith.constant 0 : index
    %get3A_5 = vector.load %arg2[%get3A_2, %get3A_3, %get3A_4] : memref<2x2000x64xf32, #tpu.memory_space<vmem>>, vector<1x2000x64xf32>
    %get3A_6 = vector.shape_cast %get3A_5 : vector<1x2000x64xf32> to vector<2000x64xf32>
    %get3A_7 = arith.constant 0 : index
    %get3A_8 = arith.constant 0 : index
    %get3A_9 = arith.constant 0 : index
    %get3A_10 = vector.load %arg3[%get3A_7, %get3A_8, %get3A_9] : memref<2x2000x64xf32, #tpu.memory_space<vmem>>, vector<1x2000x64xf32>
    %get3A_11 = vector.shape_cast %get3A_10 : vector<1x2000x64xf32> to vector<2000x64xf32>
    %add3A = arith.addf %get3A_6, %get3A_11 : vector<2000x64xf32>
    %get3A_12 = arith.constant 1 : index
    %get3A_13 = arith.constant 0 : index
    %get3A_14 = arith.constant 0 : index
    %get3A_15 = vector.load %arg2[%get3A_12, %get3A_13, %get3A_14] : memref<2x2000x64xf32, #tpu.memory_space<vmem>>, vector<1x2000x64xf32>
    %get3A_16 = vector.shape_cast %get3A_15 : vector<1x2000x64xf32> to vector<2000x64xf32>
    %get3A_17 = arith.constant 1 : index
    %get3A_18 = arith.constant 0 : index
    %get3A_19 = arith.constant 0 : index
    %get3A_20 = vector.load %arg3[%get3A_17, %get3A_18, %get3A_19] : memref<2x2000x64xf32, #tpu.memory_space<vmem>>, vector<1x2000x64xf32>
    %get3A_21 = vector.shape_cast %get3A_20 : vector<1x2000x64xf32> to vector<2000x64xf32>
    %add3A_22 = arith.addf %get3A_16, %get3A_21 : vector<2000x64xf32>
    %concatenate3A = tpu.concatenate %add3A, %add3A_22 in 1 : vector<2000x64xf32>, vector<2000x64xf32> -> vector<2000x128xf32>
    %broadcast_in_dim3A = vector.shape_cast %squeeze3A : vector<2000xf32> to vector<2000x1xf32>
    %mul3A = vector.broadcast %broadcast_in_dim3A : vector<2000x1xf32> to vector<2000x128xf32>
    %mul3A_23 = arith.mulf %mul3A, %concatenate3A : vector<2000x128xf32>
    %get3A_24 = arith.constant 0 : index
    %get3A_25 = arith.constant 0 : index
    %get3A_26 = vector.load %arg4[%get3A_24, %get3A_25] : memref<128x256xf32, #tpu.memory_space<vmem>>, vector<128x256xf32>
    %dot_general3A = arith.constant dense<0.000000e+00> : vector<2000x256xf32>
    %dot_general3A_27 = tpu.matmul %mul3A_23, %get3A_26, %dot_general3A {dimension_numbers = #tpu.dot_dimension_numbers<[1], [0], [0], [1], [0, 0, 1, 1], [], []>, transpose_lhs_hint = false} : vector<2000x128xf32>, vector<128x256xf32>, vector<2000x256xf32> -> vector<2000x256xf32>
    %get3A_28 = arith.constant 0 : index
    %get3A_29 = arith.constant 0 : index
    %get3A_30 = vector.load %arg5[%get3A_28, %get3A_29] : memref<8x256xf32, #tpu.memory_space<vmem>>, vector<1x256xf32>
    %add3A_31 = vector.broadcast %get3A_30 : vector<1x256xf32> to vector<2000x256xf32>
    %add3A_32 = arith.addf %dot_general3A_27, %add3A_31 : vector<2000x256xf32>
    %max3A = arith.constant 0.000000e+00 : f32
    %max3A_33 = vector.broadcast %max3A : f32 to vector<2000x256xf32>
    %max3A_34 = arith.maximumf %add3A_32, %max3A_33 : vector<2000x256xf32>
    %get3A_35 = arith.constant 0 : index
    %get3A_36 = arith.constant 0 : index
    %get3A_37 = vector.load %arg6[%get3A_35, %get3A_36] : memref<256x16xf32, #tpu.memory_space<vmem>>, vector<256x16xf32>
    %dot_general3A_38 = arith.constant dense<0.000000e+00> : vector<2000x16xf32>
    %dot_general3A_39 = tpu.matmul %max3A_34, %get3A_37, %dot_general3A_38 {dimension_numbers = #tpu.dot_dimension_numbers<[1], [0], [0], [1], [0, 0, 1, 1], [], []>, transpose_lhs_hint = false} : vector<2000x256xf32>, vector<256x16xf32>, vector<2000x16xf32> -> vector<2000x16xf32>
    %broadcast_in_dim3A_40 = vector.shape_cast %squeeze3A : vector<2000xf32> to vector<2000x1xf32>
    %mul3A_41 = vector.broadcast %broadcast_in_dim3A_40 : vector<2000x1xf32> to vector<2000x16xf32>
    %mul3A_42 = arith.mulf %dot_general3A_39, %mul3A_41 : vector<2000x16xf32>
    %swap3A = arith.constant 0 : index
    %swap3A_43 = arith.constant 0 : index
    %swap3A_44 = vector.load %arg7[%swap3A, %swap3A_43] : memref<2000x16xf32, #tpu.memory_space<vmem>>, vector<2000x16xf32>
    tpu.vector_store %arg7[%swap3A, %swap3A_43], %mul3A_42 {strides = array<i32>} : memref<2000x16xf32, #tpu.memory_space<vmem>>, vector<2000x16xf32>,
    return
  }
  func.func @transform_0(%arg0: i32) -> (i32, i32) {
    %c0_i32 = arith.constant 0 : i32
    %c0_i32_0 = arith.constant 0 : i32
    return %arg0, %c0_i32 : i32, i32
  }
  func.func @transform_1(%arg0: i32) -> (i32, i32, i32) {
    %c0_i32 = arith.constant 0 : i32
    %c0_i32_0 = arith.constant 0 : i32
    %c0_i32_1 = arith.constant 0 : i32
    return %c0_i32, %arg0, %c0_i32_0 : i32, i32, i32
  }
  func.func @transform_2(%arg0: i32) -> (i32, i32, i32) {
    %c0_i32 = arith.constant 0 : i32
    %c0_i32_0 = arith.constant 0 : i32
    %c0_i32_1 = arith.constant 0 : i32
    return %c0_i32, %arg0, %c0_i32_0 : i32, i32, i32
  }
  func.func @transform_3(%arg0: i32) -> (i32, i32) {
    %c0_i32 = arith.constant 0 : i32
    %c0_i32_0 = arith.constant 0 : i32
    %c0_i32_1 = arith.constant 0 : i32
    return %c0_i32, %c0_i32_0 : i32, i32
  }
  func.func @transform_4(%arg0: i32) -> (i32, i32) {
    %c0_i32 = arith.constant 0 : i32
    %c0_i32_0 = arith.constant 0 : i32
    %c0_i32_1 = arith.constant 0 : i32
    return %c0_i32, %c0_i32_0 : i32, i32
  }
  func.func @transform_5(%arg0: i32) -> (i32, i32) {
    %c0_i32 = arith.constant 0 : i32
    %c0_i32_0 = arith.constant 0 : i32
    %c0_i32_1 = arith.constant 0 : i32
    return %c0_i32, %c0_i32_0 : i32, i32
  }
  func.func @transform_6(%arg0: i32) -> (i32, i32) {
    %c0_i32 = arith.constant 0 : i32
    %c0_i32_0 = arith.constant 0 : i32
    return %arg0, %c0_i32 : i32, i32
  }
}

module attributes {stable_mosaic.version = 14 : i64} {
  func.func @_final_body(%arg0: i32, %arg1: memref<2000x8xf32, #tpu.memory_space<vmem>>, %arg2: memref<2x2000x16xf32, #tpu.memory_space<vmem>>, %arg3: memref<2000x16xf32, #tpu.memory_space<vmem>>, %arg4: memref<8x16xf32, #tpu.memory_space<vmem>>, %arg5: memref<2000x16xf32, #tpu.memory_space<vmem>>) attributes {dimension_semantics = [#tpu.dimension_semantics<arbitrary>], iteration_bounds = array<i64: 5>, scalar_prefetch = 0 : i64, scratch_operands = 0 : i64, tpu.core_type = #tpu.core_type<tc>, window_params = [{transform_indices = @transform_0, window_bounds = array<i64: 2000, 8>}, {transform_indices = @transform_1, window_bounds = array<i64: 2, 2000, 16>}, {transform_indices = @transform_2, window_bounds = array<i64: 2000, 16>}, {pipeline_mode = #tpu.pipeline_mode<synchronous>, transform_indices = @transform_3, window_bounds = array<i64: 8, 16>}, {transform_indices = @transform_4, window_bounds = array<i64: 2000, 16>}]} {
    %get3A = arith.constant 0 : index
    %get3A_0 = arith.constant 0 : index
    %get3A_1 = vector.load %arg1[%get3A, %get3A_0] : memref<2000x8xf32, #tpu.memory_space<vmem>>, vector<2000x8xf32>
    %slice3A = vector.extract_strided_slice %get3A_1 {offsets = [0, 0], sizes = [2000, 1], strides = [1, 1]} : vector<2000x8xf32> to vector<2000x1xf32>
    %squeeze3A = vector.shape_cast %slice3A : vector<2000x1xf32> to vector<2000xf32>
    %broadcast_in_dim3A = vector.shape_cast %squeeze3A : vector<2000xf32> to vector<2000x1xf32>
    %get3A_2 = arith.constant 0 : index
    %get3A_3 = arith.constant 0 : index
    %get3A_4 = arith.constant 0 : index
    %get3A_5 = vector.load %arg2[%get3A_2, %get3A_3, %get3A_4] : memref<2x2000x16xf32, #tpu.memory_space<vmem>>, vector<1x2000x16xf32>
    %get3A_6 = vector.shape_cast %get3A_5 : vector<1x2000x16xf32> to vector<2000x16xf32>
    %get3A_7 = arith.constant 1 : index
    %get3A_8 = arith.constant 0 : index
    %get3A_9 = arith.constant 0 : index
    %get3A_10 = vector.load %arg2[%get3A_7, %get3A_8, %get3A_9] : memref<2x2000x16xf32, #tpu.memory_space<vmem>>, vector<1x2000x16xf32>
    %get3A_11 = vector.shape_cast %get3A_10 : vector<1x2000x16xf32> to vector<2000x16xf32>
    %add3A = arith.addf %get3A_6, %get3A_11 : vector<2000x16xf32>
    %get3A_12 = arith.constant 0 : index
    %get3A_13 = arith.constant 0 : index
    %get3A_14 = vector.load %arg3[%get3A_12, %get3A_13] : memref<2000x16xf32, #tpu.memory_space<vmem>>, vector<2000x16xf32>
    %add3A_15 = arith.addf %add3A, %get3A_14 : vector<2000x16xf32>
    %mul3A = vector.broadcast %broadcast_in_dim3A : vector<2000x1xf32> to vector<2000x16xf32>
    %mul3A_16 = arith.mulf %mul3A, %add3A_15 : vector<2000x16xf32>
    %get3A_17 = arith.constant 0 : index
    %get3A_18 = arith.constant 0 : index
    %get3A_19 = vector.load %arg4[%get3A_17, %get3A_18] : memref<8x16xf32, #tpu.memory_space<vmem>>, vector<1x16xf32>
    %add3A_20 = vector.broadcast %get3A_19 : vector<1x16xf32> to vector<2000x16xf32>
    %add3A_21 = arith.addf %mul3A_16, %add3A_20 : vector<2000x16xf32>
    %swap3A = arith.constant 0 : index
    %swap3A_22 = arith.constant 0 : index
    %swap3A_23 = vector.load %arg5[%swap3A, %swap3A_22] : memref<2000x16xf32, #tpu.memory_space<vmem>>, vector<2000x16xf32>
    tpu.vector_store %arg5[%swap3A, %swap3A_22], %add3A_21 {strides = array<i32>} : memref<2000x16xf32, #tpu.memory_space<vmem>>, vector<2000x16xf32>,
    return
  }
  func.func @transform_0(%arg0: i32) -> (i32, i32) {
    %c0_i32 = arith.constant 0 : i32
    %c0_i32_0 = arith.constant 0 : i32
    return %arg0, %c0_i32 : i32, i32
  }
  func.func @transform_1(%arg0: i32) -> (i32, i32, i32) {
    %c0_i32 = arith.constant 0 : i32
    %c0_i32_0 = arith.constant 0 : i32
    %c0_i32_1 = arith.constant 0 : i32
    return %c0_i32, %arg0, %c0_i32_0 : i32, i32, i32
  }
  func.func @transform_2(%arg0: i32) -> (i32, i32) {
    %c0_i32 = arith.constant 0 : i32
    %c0_i32_0 = arith.constant 0 : i32
    return %arg0, %c0_i32 : i32, i32
  }
  func.func @transform_3(%arg0: i32) -> (i32, i32) {
    %c0_i32 = arith.constant 0 : i32
    %c0_i32_0 = arith.constant 0 : i32
    %c0_i32_1 = arith.constant 0 : i32
    return %c0_i32, %c0_i32_0 : i32, i32
  }
  func.func @transform_4(%arg0: i32) -> (i32, i32) {
    %c0_i32 = arith.constant 0 : i32
    %c0_i32_0 = arith.constant 0 : i32
    return %arg0, %c0_i32 : i32, i32
  }
}

</mosaic_0001>

<sc_bundles>
// kernel: kernel.11.cloned.1.call-start
scs
__scs_entry_jumppad:
0x0: {  	(pc) =	sbr.rel $0x88, $3  }
0x1: {  	(tag) =	ssettag $0x0;
	lr =	simm.s32 $0x1  }
0x2: {  	[smem:$0x3F9B] =	sst lr;
	_ =	strace $0xD0000000  }
0x3: {  	_ = 	snop  }
0x4: {  	_ = 	snop  }
0x5: {  	_ = 	snop  }
0x6: {  	_ = 	snop  }
0x7: {  	_ = 	snop  }
__scs_overlays_trampoline_lowered:
0x8: {  	[smem:$0x3FAA] =	sst s0  }
0x9: {  	[smem:$0x3FAB] =	sst s1  }
0xa: {  	[smem:$0x3FAC] =	sst s2  }
0xb: {  	[smem:$0x3FAD] =	sst s3  }
0xc: {  	[smem:$0x3FAE] =	sst s4  }
0xd: {  	[smem:$0x3FAF] =	sst s5  }
0xe: {  	[smem:$0x3FB0] =	sst s6  }
0xf: {  	[smem:$0x3FB1] =	sst s7  }
0x10: {  	[smem:$0x3FB2] =	sst s8  }
0x11: {  	[smem:$0x3FB3] =	sst s9;
	s0 =	simm.s32 @!p0 $0x0  }
0x12: {  	s1 =	sld [smem:$0x3F99];
	s0 =	simm.s32 @p0 $0x1  }
0x13: {  	[smem:$0x3FB4] =	sst s0;
	s0 =	simm.s32 @!p1 $0x0  }
0x14: {  	s2 =	sld [smem:$0x3F98];
	s0 =	simm.s32 @p1 $0x1  }
0x15: {  	[smem:$0x3FB5] =	sst s0;
	s0 =	simm.s32 @!p2 $0x0  }
0x16: {  	s3 =	sld [smem:$0x3FDB];
	s0 =	simm.s32 @p2 $0x1  }
0x17: {  	s4 =	simm.s32 $0x1BF5;
	[smem:$0x3FB7] =	sst s0  }
0x18: {  	s0 =	sld [smem:$0x3F9A];
	_ =	swait.ge [sflag:s4], $0x0  }
0x19: {  	s7 =	sld [smem:$0x3F9B]  }
0x1a: {  	s8 =	sadd.s32 $0xFFFFE003, lr  }
0x1b: {  	s9 =	sadd.s32 $0xFFFFFEF7, lr;
	s5 =	simm.s32 $0xFFFFFFFF;
	p2 =	slt.u32 s8, $0xFFFFF086  }
0x1c: {  	p1 =	slt.u32 s9, $0xF7A;
	s5 =	simm.s32 @!p2 $0x0  }
0x1d: {  	s5 =	simm.s32 @p1 $0x1;
	p0 =	seq.s32 s7, s2  }
0x1e: {  	s7 =	smul.u32 @!p0 $0xF7A, s2;
	p2 =	seq.s32 @!p0 s5, $0x0  }
0x1f: {  	s9 =	smul.u32 $0xF7A, s1;
	s8 =	simm.s32 @!p0 $0x1BF5;
	p2 =	por !p2, p0  }
0x20: {  	[sflag:s8] =	ssyncset.s32 @!p0 $0xFFFFF086;
	s6 =	sadd.s32 @!p0 s3, s7;
	s7 =	simm.s32 @!p0 $0x108  }
0x21: {  	s3 =	sadd.s32 s3, s9;
	s6 =	sadd.s32 @!p0 $0x88, s6;
	s7 =	simm.s32 @p2 $0x1082  }
0x22: {  	[simem:s7], [sflag:s8] =	dma.local @!p0 [hbm:s6], $0xF7A  }
0x23: {  	s9 =	sor.u32 $0xD0000000, s2;
	s6 =	simm.s32 $0x108;
	_ =	swait.ge @!p0 [sflag:s8], $0x0  }
0x24: {  	s3 =	sadd.s32 $0x88, s3;
	s6 =	simm.s32 @!p1 $0x1082;
	[sflag:s4] =	ssyncset.s32 $0xFFFFF086  }
0x25: {  	[simem:s6], [sflag:s4] =	dma.local [hbm:s3], $0xF7A  }
0x26: {  	[smem:$0x3F9B] =	sst s1;
	(tag) =	ssettag s2;
	_ =	strace s9  }
0x27: {  	s1 =	sld [smem:$0x3FAB]  }
0x28: {  	s2 =	sld [smem:$0x3FAC]  }
0x29: {  	s4 =	sld [smem:$0x3FAE]  }
0x2a: {  	p0 =	seq.s32 s5, $0x0;
	s5 =	sld [smem:$0x3FAF]  }
0x2b: {  	s6 =	sld [smem:$0x3FB0]  }
0x2c: {  	s7 =	sld [smem:$0x3FB1]  }
0x2d: {  	s3 =	simm.s32 $0x108;
	s8 =	sld [smem:$0x3FB2]  }
0x2e: {  	s3 =	simm.s32 @!p0 $0x1082;
	s9 =	sld [smem:$0x3FB3]  }
0x2f: {  	lr =	sadd.s32 s0, s3;
	s0 =	sld [smem:$0x3FAA]  }
0x30: {  	s3 =	sld [smem:$0x3FAD]  }
0x31: {  	[smem:$0x3FB6] =	sst s10  }
0x32: {  	s10 =	sld [smem:$0x3FB4];
	_ =	sdelay $0x3  }
0x33: {  	p0 =	seq.s32 s10, $0x1;
	s10 =	sld [smem:$0x3FB6];
	_ =	sdelay $0x3  }
0x34: {  	[smem:$0x3FB6] =	sst s10  }
0x35: {  	s10 =	sld [smem:$0x3FB5];
	_ =	sdelay $0x3  }
0x36: {  	p1 =	seq.s32 s10, $0x1;
	s10 =	sld [smem:$0x3FB6];
	_ =	sdelay $0x3  }
0x37: {  	[smem:$0x3FB6] =	sst s10  }
0x38: {  	s10 =	sld [smem:$0x3FB7]  }
0x39: {  	_ = 	snop;
	(pc) =	sbr.ind lr, $3  }
0x3a: {  	_ = 	snop  }
0x3b: {  	_ = 	snop  }
0x3c: {  	p2 =	seq.s32 s10, $0x1;
	s10 =	sld [smem:$0x3FB6]  }
0x3d: {  	_ =	shalt  }
0x3e: {  	_ =	shalt  }
0x3f: {  	_ =	shalt  }
0x40: {  	_ =	shalt  }
0x41: {  	_ =	shalt  }
0x42: {  	_ =	shalt  }
0x43: {  	_ =	shalt  }
0x44: {  	_ =	shalt  }
0x45: {  	_ =	shalt  }
0x46: {  	_ =	shalt  }
0x47: {  	_ =	shalt  }
0x48: {  	_ =	shalt  }
0x49: {  	_ =	shalt  }
0x4a: {  	_ =	shalt  }
0x4b: {  	_ =	shalt  }
0x4c: {  	_ =	shalt  }
0x4d: {  	_ =	shalt  }
0x4e: {  	_ =	shalt  }
0x4f: {  	_ =	shalt  }
0x50: {  	_ =	shalt  }
0x51: {  	_ =	shalt  }
0x52: {  	_ =	shalt  }
0x53: {  	_ =	shalt  }
0x54: {  	_ =	shalt  }
0x55: {  	_ =	shalt  }
0x56: {  	_ =	shalt  }
0x57: {  	_ =	shalt  }
0x58: {  	_ =	shalt  }
0x59: {  	_ =	shalt  }
0x5a: {  	_ =	shalt  }
0x5b: {  	_ =	shalt  }
0x5c: {  	_ =	shalt  }
0x5d: {  	_ =	shalt  }
0x5e: {  	_ =	shalt  }
0x5f: {  	_ =	shalt  }
0x60: {  	_ =	shalt  }
0x61: {  	_ =	shalt  }
0x62: {  	_ =	shalt  }
0x63: {  	_ =	shalt  }
0x64: {  	_ =	shalt  }
0x65: {  	_ =	shalt  }
0x66: {  	_ =	shalt  }
0x67: {  	_ =	shalt  }
0x68: {  	_ =	shalt  }
0x69: {  	_ =	shalt  }
0x6a: {  	_ =	shalt  }
0x6b: {  	_ =	shalt  }
0x6c: {  	_ =	shalt  }
0x6d: {  	_ =	shalt  }
0x6e: {  	_ =	shalt  }
0x6f: {  	_ =	shalt  }
0x70: {  	_ =	shalt  }
0x71: {  	_ =	shalt  }
0x72: {  	_ =	shalt  }
0x73: {  	_ =	shalt  }
0x74: {  	_ =	shalt  }
0x75: {  	_ =	shalt  }
0x76: {  	_ =	shalt  }
0x77: {  	_ =	shalt  }
0x78: {  	_ =	shalt  }
0x79: {  	_ =	shalt  }
0x7a: {  	_ =	shalt  }
0x7b: {  	_ =	shalt  }
0x7c: {  	_ =	shalt  }
0x7d: {  	_ =	shalt  }
0x7e: {  	_ =	shalt  }
0x7f: {  	_ =	shalt  }
0x80: {  	_ =	shalt  }
0x81: {  	_ =	shalt  }
0x82: {  	_ =	shalt  }
0x83: {  	_ =	shalt  }
0x84: {  	_ =	shalt  }
0x85: {  	_ =	shalt  }
0x86: {  	_ =	shalt  }
0x87: {  	_ =	shalt  }
.Lfunc_end0:
.L_simem_size_0:
called_computation.1_lowered:
.L_overlay_start_0:
0x88: {  	s2 =	sld [smem:$0x3FD9]  }
0x89: {  	s3 =	sld [smem:$0x3FFE];
	_ =	sdelay $0x1  }
0x8a: {  	s1 =	srdreg.scid  }
0x8b: {  	s0 =	sand.u32 $0x1, s1  }
0x8c: {  	s16 =	sshll.u32 s0, $0xA;
	s2 =	sadd.s32 s3, s2  }
0x8d: {  	s2 =	sadd.s32 s2, s16  }
0x8e: {  	[smem:$0x3FC2] =	sst s2  }
0x8f: {  	_ = 	snop  }
0x90: {  	(tm) =	ssettm $0x1  }
0x91: {  	s17 =	sld [smem:$0x3FFB];
	_ =	sdelay $0x3  }
0x92: {  	_ =	strace s17  }
0x93: {  	s2 =	sld [smem:$0x3FFC];
	_ =	sdelay $0x3  }
0x94: {  	_ =	strace s2  }
0x95: {  	s2 =	sld [smem:$0x3FFD];
	_ =	sdelay $0x3  }
0x96: {  	_ =	strace s2  }
0x97: {  	_ =	strace $0x8FFFFFFF  }
0x98: {  	s18 =	sld [smem:$0x3FDB];
	_ =	sdelay $0x1  }
0x99: {  	s19 =	simm.s32 $_scs_section_size  }
0x9a: {  	s4 =	simm.s32 $_size__tile_overlayer_lowered;
	s5 =	simm.s32 $_tile_overlayer_lowered  }
0x9b: {  	s22 =	simm.s32 $0x1BFF;
	s21 =	sshll.u32 s5, $0x1;
	s2 =	sadd.s32 s19, s18  }
0x9c: {  	s6 =	simm.s32 $0x0;
	s20 =	sshll.u32 s4, $0x1;
	s4 =	sadd.s32 s21, s2  }
0x9d: {  	[timem:s6], [sflag:s22] =	dma.local [hbm:s4], s20  }
0x9e: {  	_ =	swait.ge [sflag:s22], s20  }
0x9f: {  	s3 =	ssub.s32 $0x0, s20;
	[sflag:s22] =	ssyncset.done $0x0  }
0xa0: {  	[sflag:s22] =	ssyncadd.s32 s3;
	_ =	sdelay $0x1  }
0xa1: {  	s23 =	simm.s32 $0x1B8B  }
0xa2: {  	_ =	swait.ge [sflag:s23], $0x1  }
0xa3: {  	[sflag:s23] =	ssyncset.done $0x0  }
0xa4: {  	s25 =	simm.s32 $0x1B8E;
	s24 =	sld [smem:$0x3FFE];
	[sflag:s23] =	ssyncadd.s32 $0xFFFFFFFF  }
0xa5: {  	s26 =	simm.s32 $execute0_lowered;
	[smem:$0x3FD2] =	sst s25  }
0xa6: {  	s4 =	sshll.u32 s26, $0x1;
	_ =	strace $0x80000049;
	[dreg:$0x1] =	wrdreg $0xFFFFFFFF  }
0xa7: {  	s28 =	simm.s32 $_size_execute0_lowered;
	s2 =	sadd.s32 s2, s4;
	[dreg:$0x0] =	wrdreg $0x0  }
0xa8: {  	s4 =	sshll.u32 s28, $0x1;
	[dreg:$0x2] =	wrdreg s2  }
0xa9: {  	[dreg:$0x3] =	wrdreg s4  }
0xaa: {  	[dreg:$0x4] =	wrdreg $0xC0  }
0xab: {  	_ =	task [dreg:s6], $0x5FFFF  }
0xac: {  	[dreg:$0x1] =	wrdreg $0xFFFFFFFF  }
0xad: {  	[dreg:$0x0] =	wrdreg $0x60  }
0xae: {  	[dreg:$0x2] =	wrdreg s24  }
0xaf: {  	[dreg:$0x3] =	wrdreg $0x145000  }
0xb0: {  	[dreg:$0x4] =	wrdreg $0x9  }
0xb1: {  	_ =	task.clear_ibuf [dreg:s6], $0x5FFFF;
	_ =	strace $0x90000049  }
0xb2: {  	s29 =	simm.s32 $0x9;
	_ =	strace $0x8000004B  }
0xb3: {  	_ =	swait.ge [sflag:s29], $0x1  }
0xb4: {  	[sflag:s29] =	ssyncadd.s32 $0xFFFFFFFF  }
0xb5: {  	_ =	strace $0x9000004B  }
0xb6: {  	_ =	sfence  }
0xb7: {  	s30 =	sld [smem:$0x0];
	_ =	sdelay $0x2  }
0xb8: {  	s31 =	sshll.u32 s1, $0xD;
	s1 =	sshrl.u32 s1, $0x2  }
0xb9: {  	s3 =	sand.u32 $0x4000, s31;
	s1 =	sadd.s32 s1, s30  }
0xba: {  	s0 =	sor.u32 s3, s0;
	s1 =	sshll.u32 s1, $0x11  }
0xbb: {  	s0 =	sor.u32 s1, s0  }
0xbc: {  	s0 =	sadd.s32 $0x8F2B, s0  }
0xbd: {  	[sflag:s0] =	ssyncadd.remote.s32 $0x1  }
0xbe: {  	_ =	sfence.sel $0xFFFF  }
0xbf: {  	[dreg:$0x0] =	wrdreg $0xFFFFFFFF;
	(pc) =	sbr.abs _section_cstart, $3  }
0xc0: {  	[dreg:$0x1] =	wrdreg $0xFFFFFFFF  }
0xc1: {  	_ =	task.clear_ibuf [dreg:s6], $0x2FFFF;
	_ =	strace $0x9FFFFFFF  }
0xc2: {  	(tm) =	ssettm $0x7FFFFFFF  }
0xc3: {  	_ =	shalt  }
tec
execute0_lowered:
.L_overlay_start_1:
0x0: {  	(tag) =	ssettag $0x1  }
0x1: {  	s0 =	rddreg [dreg:$0x0];
	s1 =	srdreg.scid  }
0x2: {  	s13 =	stileid.u32;
	s2 =	rddreg [dreg:$0x1]  }
0x3: {  	s3 =	simm.s32 $0x0;
	s11 =	simm.s32 $0x5280;
	s12 =	simm.s32 $0x80  }
0x4: {  	s14 =	simm.s32 $0xC500;
	s17 =	simm.s32 $0x1;
	s19 =	simm.s32 $0xE500  }
0x5: {  	s20 =	simm.s32 $0x2;
	s23 =	simm.s32 $0x10500;
	s24 =	simm.s32 $0x3  }
0x6: {  	s28 =	simm.s32 $0x12500;
	s29 =	simm.s32 $0x4;
	s31 =	simm.s32 $0x6  }
0x7: {  	s21 =	simm.s32 $0x7;
	s25 =	simm.s32 $0x8;
	s4 =	smul.u32 $0x5280, s13  }
0x8: {  	s30 =	simm.s32 $0xA;
	s1 =	sand.u32 $0x1, s1;
	s7 =	smul.u32 $0x9E00, s13  }
0x9: {  	[smem:$0x7FF] =	sst s3;
	s26 =	sshll.u32 s13, $0x6;
	s5 =	smul.u32 $0x52800, s1  }
0xa: {  	s13 =	simm.s32 $0xA500;
	_ =	strace $0x8000004A;
	s6 =	smul.u32 $0x9E000, s1  }
0xb: {  	s1 =	ssub.s32 $0x2, s1;
	s15 =	sor.u32 $0x1C0B, s26;
	s26 =	simm.s32 $0x9  }
0xc: {  	s9 =	sshrl.u32 s7, $0x3;
	s10 =	sshrl.u32 s1, $0x1;
	s16 =	sadd.s32 s7, s2  }
0xd: {  	s5 =	sadd.s32 s4, s5;
	s4 =	sshrl.u32 s4, $0x3;
	s6 =	sadd.s32 s7, s6  }
0xe: {  	s9 =	sadd.s32 s9, s0;
	s1 =	ssub.s32 s1, s10;
	s10 =	simm.s32 $0xB  }
0xf: {  	s16 =	sshrl.u32 s16, $0x3;
	s5 =	sshrl.u32 s5, $0x3;
	s8 =	sadd.s32 s4, s0  }
0x10: {  	s4 =	sadd.s32 $0x83A00, s0;
	s6 =	sshrl.u32 s6, $0x3;
	s7 =	sadd.s32 $0xAAC00, s9  }
0x11: {  	s9 =	smax.u32 s1, $0x1;
	s1 =	simm.s32 $0x0;
	s5 =	sadd.s32 s5, s0  }
0x12: {  	s0 =	sadd.s32 s6, s0;
	s6 =	sadd.s32 $0x2B200, s8;
	s5 =	sadd.s32 $0x16800, s5  }
0x13: {  	s8 =	sadd.s32 $0xBE800, s0;
	s0 =	simm.s32 $0x5;
	[dreg:$0x3] =	wrdreg s5  }
.LBB2_1:
0x14: {  	s5 =	rddreg [dreg:$0x3]  }
0x15: {  	[tilespmem:s3], [sflag:$0xB] =	stream.linear.gather [hbm4b:s5+s3], $0x5280, $0x38;
	[tilespmem:$0x1E300] =	vst v63  }
0x16: {  	_ =	swait.ge [sflag:s10], $0x5280  }
0x17: {  	[sflag:s10] =	ssyncset.done $0x0  }
0x18: {  	[sflag:s10] =	ssyncadd.s32 $0xFFFFAD80  }
0x19: {  	[tilespmem:s11], [sflag:$0xB] =	stream.linear.gather [hbm4b:s6+s3], $0x5280, $0x38;
	[tilespmem:$0x1E300] =	vst v63  }
0x1a: {  	_ =	swait.ge [sflag:s10], $0x5280  }
0x1b: {  	[sflag:s10] =	ssyncset.done $0x0  }
0x1c: {  	[sflag:s10] =	ssyncadd.s32 $0xFFFFAD80  }
0x1d: {  	[tilespmem:s13], [sflag:$0x1] =	stream.indirect.gather [hbm4b:s4+s12], $0x40, s3, s12, $0xb8;
	[tilespmem:$0x1E300] =	vst v63  }
0x1e: {  	_ = 	snop  }
0x1f: {  	[tilespmem:s14], [sflag:$0x2] =	stream.indirect.gather [hbm4b:s4+s12], $0x40, s12, s12, $0xb8;
	[tilespmem:$0x1E300] =	vst v63  }
0x20: {  	[spmem:s16], [sflag:s15] =	dma.local [hbm:s7], $0x13C0  }
0x21: {  	_ =	swait.ge [sflag:s10], $0x13C0  }
0x22: {  	[sflag:s10] =	ssyncset.done $0x0  }
0x23: {  	[sflag:s10] =	ssyncadd.s32 $0xFFFFEC40  }
0x24: {  	[bflag:$0x0] =	sbarrier.arrive $0xFFFF  }
0x25: {  	_ =	swait.ge [sflag:s17], $0x2000  }
0x26: {  	[sflag:s17] =	ssyncset.done $0x0  }
0x27: {  	[sflag:s17] =	ssyncadd.s32 $0xFFFFE000  }
0x28: {  	[spmem:s2] =	stream.indirect.scatter.add.f32 [tilespmem:s13], [sflag:$0x6], $0x40, s11, s12, $0xb8;
	[tilespmem:$0x1E300] =	vst v63  }
0x29: {  	s22 =	simm.s32 $0x100  }
0x2a: {  	[tilespmem:s19], [sflag:$0x3] =	stream.indirect.gather [hbm4b:s4+s12], $0x40, s22, s12, $0xb8;
	[tilespmem:$0x1E300] =	vst v63  }
0x2b: {  	_ =	swait.ge [sflag:s20], $0x2000  }
0x2c: {  	[sflag:s20] =	ssyncset.done $0x0  }
0x2d: {  	s18 =	simm.s32 $0x5300;
	[sflag:s20] =	ssyncadd.s32 $0xFFFFE000  }
0x2e: {  	[spmem:s2] =	stream.indirect.scatter.add.f32 [tilespmem:s14], [sflag:$0x7], $0x40, s18, s12, $0xb8;
	[tilespmem:$0x1E300] =	vst v63  }
0x2f: {  	s22 =	simm.s32 $0x180  }
0x30: {  	[tilespmem:s23], [sflag:$0x4] =	stream.indirect.gather [hbm4b:s4+s12], $0x40, s22, s12, $0xb8;
	[tilespmem:$0x1E300] =	vst v63  }
0x31: {  	_ =	swait.ge [sflag:s24], $0x2000  }
0x32: {  	[sflag:s24] =	ssyncset.done $0x0  }
0x33: {  	s18 =	simm.s32 $0x5380;
	[sflag:s24] =	ssyncadd.s32 $0xFFFFE000  }
0x34: {  	[spmem:s2] =	stream.indirect.scatter.add.f32 [tilespmem:s19], [sflag:$0x8], $0x40, s18, s12, $0xb8;
	[tilespmem:$0x1E300] =	vst v63  }
0x35: {  	s22 =	simm.s32 $0x200  }
0x36: {  	[tilespmem:s28], [sflag:$0x5] =	stream.indirect.gather [hbm4b:s4+s12], $0x40, s22, s12, $0xb8;
	[tilespmem:$0x1E300] =	vst v63  }
0x37: {  	_ =	swait.ge [sflag:s29], $0x2000  }
0x38: {  	[sflag:s29] =	ssyncset.done $0x0  }
0x39: {  	s18 =	simm.s32 $0x5400;
	[sflag:s29] =	ssyncadd.s32 $0xFFFFE000  }
0x3a: {  	[spmem:s2] =	stream.indirect.scatter.add.f32 [tilespmem:s23], [sflag:$0x9], $0x40, s18, s12, $0xb8;
	[tilespmem:$0x1E300] =	vst v63  }
0x3b: {  	_ =	swait.ge [sflag:s31], $0x2000  }
0x3c: {  	[sflag:s31] =	ssyncset.done $0x0  }
0x3d: {  	s22 =	simm.s32 $0x280;
	[sflag:s31] =	ssyncadd.s32 $0xFFFFE000  }
0x3e: {  	[tilespmem:s13], [sflag:$0x1] =	stream.indirect.gather [hbm4b:s4+s12], $0x40, s22, s12, $0xb8;
	[tilespmem:$0x1E300] =	vst v63  }
0x3f: {  	_ =	swait.ge [sflag:s0], $0x2000  }
0x40: {  	[sflag:s0] =	ssyncset.done $0x0  }
0x41: {  	s18 =	simm.s32 $0x5480;
	[sflag:s0] =	ssyncadd.s32 $0xFFFFE000  }
0x42: {  	[spmem:s2] =	stream.indirect.scatter.add.f32 [tilespmem:s28], [sflag:$0xA], $0x40, s18, s12, $0xb8;
	[tilespmem:$0x1E300] =	vst v63  }
0x43: {  	_ =	swait.ge [sflag:s21], $0x2000  }
0x44: {  	[sflag:s21] =	ssyncset.done $0x0  }
0x45: {  	s22 =	simm.s32 $0x300;
	[sflag:s21] =	ssyncadd.s32 $0xFFFFE000  }
0x46: {  	[tilespmem:s14], [sflag:$0x2] =	stream.indirect.gather [hbm4b:s4+s12], $0x40, s22, s12, $0xb8;
	[tilespmem:$0x1E300] =	vst v63  }
0x47: {  	_ =	swait.ge [sflag:s17], $0x2000  }
0x48: {  	[sflag:s17] =	ssyncset.done $0x0  }
0x49: {  	s18 =	simm.s32 $0x5500;
	[sflag:s17] =	ssyncadd.s32 $0xFFFFE000  }
0x4a: {  	[spmem:s2] =	stream.indirect.scatter.add.f32 [tilespmem:s13], [sflag:$0x6], $0x40, s18, s12, $0xb8;
	[tilespmem:$0x1E300] =	vst v63  }
0x4b: {  	_ =	swait.ge [sflag:s25], $0x2000  }
0x4c: {  	[sflag:s25] =	ssyncset.done $0x0  }
0x4d: {  	s5 =	simm.s32 $0x380;
	[sflag:s25] =	ssyncadd.s32 $0xFFFFE000  }
0x4e: {  	[tilespmem:s19], [sflag:$0x3] =	stream.indirect.gather [hbm4b:s4+s12], $0x40, s5, s12, $0xb8;
	[tilespmem:$0x1E300] =	vst v63  }
0x4f: {  	_ =	swait.ge [sflag:s20], $0x2000  }
0x50: {  	[sflag:s20] =	ssyncset.done $0x0  }
0x51: {  	s22 =	simm.s32 $0x5580;
	[sflag:s20] =	ssyncadd.s32 $0xFFFFE000  }
0x52: {  	[spmem:s2] =	stream.indirect.scatter.add.f32 [tilespmem:s14], [sflag:$0x7], $0x40, s22, s12, $0xb8;
	[tilespmem:$0x1E300] =	vst v63  }
0x53: {  	_ =	swait.ge [sflag:s26], $0x2000  }
0x54: {  	[sflag:s26] =	ssyncset.done $0x0  }
0x55: {  	s5 =	simm.s32 $0x400;
	[sflag:s26] =	ssyncadd.s32 $0xFFFFE000  }
0x56: {  	[tilespmem:s23], [sflag:$0x4] =	stream.indirect.gather [hbm4b:s4+s12], $0x40, s5, s12, $0xb8;
	[tilespmem:$0x1E300] =	vst v63  }
0x57: {  	_ =	swait.ge [sflag:s24], $0x2000  }
0x58: {  	[sflag:s24] =	ssyncset.done $0x0  }
0x59: {  	s22 =	simm.s32 $0x5600;
	[sflag:s24] =	ssyncadd.s32 $0xFFFFE000  }
0x5a: {  	[spmem:s2] =	stream.indirect.scatter.add.f32 [tilespmem:s19], [sflag:$0x8], $0x40, s22, s12, $0xb8;
	[tilespmem:$0x1E300] =	vst v63  }
0x5b: {  	_ =	swait.ge [sflag:s30], $0x2000  }
0x5c: {  	[sflag:s30] =	ssyncset.done $0x0  }
0x5d: {  	s5 =	simm.s32 $0x480;
	[sflag:s30] =	ssyncadd.s32 $0xFFFFE000  }
0x5e: {  	[tilespmem:s28], [sflag:$0x5] =	stream.indirect.gather [hbm4b:s4+s12], $0x40, s5, s12, $0xb8;
	[tilespmem:$0x1E300] =	vst v63  }
0x5f: {  	_ =	swait.ge [sflag:s29], $0x2000  }
0x60: {  	[sflag:s29] =	ssyncset.done $0x0  }
0x61: {  	s22 =	simm.s32 $0x5680;
	[sflag:s29] =	ssyncadd.s32 $0xFFFFE000  }
0x62: {  	[spmem:s2] =	stream.indirect.scatter.add.f32 [tilespmem:s23], [sflag:$0x9], $0x40, s22, s12, $0xb8;
	[tilespmem:$0x1E300] =	vst v63  }
0x63: {  	_ =	swait.ge [sflag:s31], $0x2000  }
0x64: {  	[sflag:s31] =	ssyncset.done $0x0  }
0x65: {  	s5 =	simm.s32 $0x500;
	[sflag:s31] =	ssyncadd.s32 $0xFFFFE000  }
0x66: {  	[tilespmem:s13], [sflag:$0x1] =	stream.indirect.gather [hbm4b:s4+s12], $0x40, s5, s12, $0xb8;
	[tilespmem:$0x1E300] =	vst v63  }
0x67: {  	_ =	swait.ge [sflag:s0], $0x2000  }
0x68: {  	[sflag:s0] =	ssyncset.done $0x0  }
0x69: {  	s22 =	simm.s32 $0x5700;
	[sflag:s0] =	ssyncadd.s32 $0xFFFFE000  }
0x6a: {  	[spmem:s2] =	stream.indirect.scatter.add.f32 [tilespmem:s28], [sflag:$0xA], $0x40, s22, s12, $0xb8;
	[tilespmem:$0x1E300] =	vst v63  }
0x6b: {  	_ =	swait.ge [sflag:s21], $0x2000  }
0x6c: {  	[sflag:s21] =	ssyncset.done $0x0  }
0x6d: {  	s18 =	simm.s32 $0xA00;
	s22 =	simm.s32 $0x580;
	[sflag:s21] =	ssyncadd.s32 $0xFFFFE000  }
.LBB2_2:
0x6e: {  	[tilespmem:s14], [sflag:$0x2] =	stream.indirect.gather [hbm4b:s4+s12], $0x40, s22, s12, $0xb8;
	[tilespmem:$0x1E300] =	vst v63  }
0x6f: {  	s22 =	smov.u32 s18  }
0x70: {  	p0 =	sne.s32 s18, $0x12C00;
	s18 =	sadd.s32 $0xA00, s18;
	_ =	swait.ge [sflag:s17], $0x2000  }
0x71: {  	s22 =	sshra.s32 s22, $0x2;
	[sflag:s17] =	ssyncset.done $0x0  }
0x72: {  	s5 =	sadd.s32 $0x5500, s22;
	[sflag:s17] =	ssyncadd.s32 $0xFFFFE000  }
0x73: {  	[spmem:s2] =	stream.indirect.scatter.add.f32 [tilespmem:s13], [sflag:$0x6], $0x40, s5, s12, $0xb8;
	[tilespmem:$0x1E300] =	vst v63  }
0x74: {  	_ =	swait.ge [sflag:s25], $0x2000  }
0x75: {  	[sflag:s25] =	ssyncset.done $0x0  }
0x76: {  	s5 =	sadd.s32 $0x380, s22;
	[sflag:s25] =	ssyncadd.s32 $0xFFFFE000  }
0x77: {  	[tilespmem:s19], [sflag:$0x3] =	stream.indirect.gather [hbm4b:s4+s12], $0x40, s5, s12, $0xb8;
	[tilespmem:$0x1E300] =	vst v63  }
0x78: {  	_ =	swait.ge [sflag:s20], $0x2000  }
0x79: {  	[sflag:s20] =	ssyncset.done $0x0  }
0x7a: {  	s5 =	sadd.s32 $0x5580, s22;
	[sflag:s20] =	ssyncadd.s32 $0xFFFFE000  }
0x7b: {  	[spmem:s2] =	stream.indirect.scatter.add.f32 [tilespmem:s14], [sflag:$0x7], $0x40, s5, s12, $0xb8;
	[tilespmem:$0x1E300] =	vst v63  }
0x7c: {  	_ =	swait.ge [sflag:s26], $0x2000  }
0x7d: {  	[sflag:s26] =	ssyncset.done $0x0  }
0x7e: {  	s5 =	sadd.s32 $0x400, s22;
	[sflag:s26] =	ssyncadd.s32 $0xFFFFE000  }
0x7f: {  	[tilespmem:s23], [sflag:$0x4] =	stream.indirect.gather [hbm4b:s4+s12], $0x40, s5, s12, $0xb8;
	[tilespmem:$0x1E300] =	vst v63  }
0x80: {  	_ =	swait.ge [sflag:s24], $0x2000  }
0x81: {  	[sflag:s24] =	ssyncset.done $0x0  }
0x82: {  	s5 =	sadd.s32 $0x5600, s22;
	[sflag:s24] =	ssyncadd.s32 $0xFFFFE000  }
0x83: {  	[spmem:s2] =	stream.indirect.scatter.add.f32 [tilespmem:s19], [sflag:$0x8], $0x40, s5, s12, $0xb8;
	[tilespmem:$0x1E300] =	vst v63  }
0x84: {  	_ =	swait.ge [sflag:s30], $0x2000  }
0x85: {  	[sflag:s30] =	ssyncset.done $0x0  }
0x86: {  	s5 =	sadd.s32 $0x480, s22;
	[sflag:s30] =	ssyncadd.s32 $0xFFFFE000  }
0x87: {  	[tilespmem:s28], [sflag:$0x5] =	stream.indirect.gather [hbm4b:s4+s12], $0x40, s5, s12, $0xb8;
	[tilespmem:$0x1E300] =	vst v63  }
0x88: {  	_ =	swait.ge [sflag:s29], $0x2000  }
0x89: {  	[sflag:s29] =	ssyncset.done $0x0  }
0x8a: {  	s5 =	sadd.s32 $0x5680, s22;
	[sflag:s29] =	ssyncadd.s32 $0xFFFFE000  }
0x8b: {  	[spmem:s2] =	stream.indirect.scatter.add.f32 [tilespmem:s23], [sflag:$0x9], $0x40, s5, s12, $0xb8;
	[tilespmem:$0x1E300] =	vst v63  }
0x8c: {  	_ =	swait.ge [sflag:s31], $0x2000  }
0x8d: {  	[sflag:s31] =	ssyncset.done $0x0  }
0x8e: {  	s5 =	sadd.s32 $0x500, s22;
	[sflag:s31] =	ssyncadd.s32 $0xFFFFE000  }
0x8f: {  	[tilespmem:s13], [sflag:$0x1] =	stream.indirect.gather [hbm4b:s4+s12], $0x40, s5, s12, $0xb8;
	[tilespmem:$0x1E300] =	vst v63  }
0x90: {  	_ =	swait.ge [sflag:s0], $0x2000  }
0x91: {  	[sflag:s0] =	ssyncset.done $0x0  }
.Ltmp0:
0x92: {  	s5 =	sadd.s32 $0x5700, s22;
	[sflag:s0] =	ssyncadd.s32 $0xFFFFE000;
	(pc) =	sbr.rel @p0 .LBB2_2-.Ltmp0, $4  }
0x93: {  	[spmem:s2] =	stream.indirect.scatter.add.f32 [tilespmem:s28], [sflag:$0xA], $0x40, s5, s12, $0xb8;
	[tilespmem:$0x1E300] =	vst v63  }
0x94: {  	_ =	swait.ge [sflag:s21], $0x2000  }
0x95: {  	[sflag:s21] =	ssyncset.done $0x0  }
0x96: {  	s22 =	sadd.s32 $0x580, s22;
	[sflag:s21] =	ssyncadd.s32 $0xFFFFE000  }
0x97: {  	[tilespmem:s14], [sflag:$0x2] =	stream.indirect.gather [hbm4b:s4+s12], $0x40, s22, s12, $0xb8;
	[tilespmem:$0x1E300] =	vst v63  }
0x98: {  	_ =	swait.ge [sflag:s25], $0x2000  }
0x99: {  	[sflag:s25] =	ssyncset.done $0x0  }
0x9a: {  	[sflag:s25] =	ssyncadd.s32 $0xFFFFE000  }
0x9b: {  	_ =	swait.ge [sflag:s26], $0x2000  }
0x9c: {  	[sflag:s26] =	ssyncset.done $0x0  }
0x9d: {  	[sflag:s26] =	ssyncadd.s32 $0xFFFFE000  }
0x9e: {  	_ =	swait.ge [sflag:s30], $0x2000  }
0x9f: {  	[sflag:s30] =	ssyncset.done $0x0  }
0xa0: {  	[sflag:s30] =	ssyncadd.s32 $0xFFFFE000  }
0xa1: {  	_ =	swait.ge [sflag:s17], $0x2000  }
0xa2: {  	[sflag:s17] =	ssyncset.done $0x0  }
0xa3: {  	[sflag:s17] =	ssyncadd.s32 $0xFFFFE000  }
0xa4: {  	_ =	swait.ge [sflag:s20], $0x2000  }
0xa5: {  	s1 =	sadd.s32 $0x1, s1;
	[sflag:s20] =	ssyncset.done $0x0  }
0xa6: {  	p0 =	sne.s32 s1, s9;
	[sflag:s20] =	ssyncadd.s32 $0xFFFFE000  }
.Ltmp1:
0xa7: {  	[bflag:$0x0] =	sbarrier.arrive $0xFFFF;
	(pc) =	sbr.rel @p0 .LBB2_1-.Ltmp1, $4  }
0xa8: {  	[hbm:s8], [sflag:s15] =	dma.local [spmem:s16], $0x13C0  }
0xa9: {  	_ =	swait.ge [sflag:s10], $0x13C0  }
0xaa: {  	[sflag:s10] =	ssyncset.done $0x0  }
0xab: {  	[sflag:s10] =	ssyncadd.s32 $0xFFFFEC40  }
0xac: {  	_ =	sfence.sel $0x180000  }
0xad: {  	[bflag:$0x0] =	sbarrier.arrive $0xFFFF  }
0xae: {  	_ =	strace $0x9000004A  }
0xaf: {  	s0 =	stileid.u32;
	[bflag:$0x2] =	sbarrier.arrive $0xFFFF  }
0xb0: {  	p0 =	sne.s32 s0, $0x0;
	s0 =	rddreg [dreg:$0x2]  }
0xb1: {  	s0 =	sadd.s32 @!p0 $0x100000, s0  }
0xb2: {  	[sflag:s0] =	ssyncadd.tile.s32 @!p0 $0x1;
	_ =	shalt  }
.Lfunc_end2:
_tile_overlayer_lowered:
.L_overlay_start_2:
0xb3: {  	(tag) =	ssettag $0x2  }
0xb4: {  	s0 =	rddreg [dreg:$0x0];
	s2 =	stileid.u32  }
0xb5: {  	s1 =	rddreg [dreg:$0x1];
	p0 =	sne.s32 s2, $0x0  }
0xb6: {  	s3 =	rddreg [dreg:$0x2];
	[bflag:$0x3] =	sbarrier.arrive $0xFFFF;
	s2 =	simm.s32 @!p0 $0x1C0B  }
0xb7: {  	[timem:s3], [sflag:s2] =	dma.local @!p0 [hbm:s0], s1  }
0xb8: {  	s0 =	simm.s32 @!p0 $0xB  }
0xb9: {  	_ =	swait.ge @!p0 [sflag:s0], s1  }
0xba: {  	s1 =	ssub.s32 @!p0 $0x0, s1;
	[sflag:s0] =	ssyncset.done @!p0 $0x0  }
0xbb: {  	[sflag:s0] =	ssyncadd.s32 @!p0 s1  }
0xbc: {  	[bflag:$0x3] =	sbarrier.arrive $0xFFFF  }
0xbd: {  	_ =	shalt  }

// kernel: kernel.14.cloned.1.call-start
scs
__scs_entry_jumppad:
0x0: {  	(pc) =	sbr.rel $0x88, $3  }
0x1: {  	(tag) =	ssettag $0x0;
	lr =	simm.s32 $0x1  }
0x2: {  	[smem:$0x3F9B] =	sst lr;
	_ =	strace $0xD0000000  }
0x3: {  	_ = 	snop  }
0x4: {  	_ = 	snop  }
0x5: {  	_ = 	snop  }
0x6: {  	_ = 	snop  }
0x7: {  	_ = 	snop  }
__scs_overlays_trampoline_lowered:
0x8: {  	[smem:$0x3FAA] =	sst s0  }
0x9: {  	[smem:$0x3FAB] =	sst s1  }
0xa: {  	[smem:$0x3FAC] =	sst s2  }
0xb: {  	[smem:$0x3FAD] =	sst s3  }
0xc: {  	[smem:$0x3FAE] =	sst s4  }
0xd: {  	[smem:$0x3FAF] =	sst s5  }
0xe: {  	[smem:$0x3FB0] =	sst s6  }
0xf: {  	[smem:$0x3FB1] =	sst s7  }
0x10: {  	[smem:$0x3FB2] =	sst s8  }
0x11: {  	[smem:$0x3FB3] =	sst s9;
	s0 =	simm.s32 @!p0 $0x0  }
0x12: {  	s1 =	sld [smem:$0x3F99];
	s0 =	simm.s32 @p0 $0x1  }
0x13: {  	[smem:$0x3FB4] =	sst s0;
	s0 =	simm.s32 @!p1 $0x0  }
0x14: {  	s2 =	sld [smem:$0x3F98];
	s0 =	simm.s32 @p1 $0x1  }
0x15: {  	[smem:$0x3FB5] =	sst s0;
	s0 =	simm.s32 @!p2 $0x0  }
0x16: {  	s3 =	sld [smem:$0x3FDB];
	s0 =	simm.s32 @p2 $0x1  }
0x17: {  	s4 =	simm.s32 $0x1BF5;
	[smem:$0x3FB7] =	sst s0  }
0x18: {  	s0 =	sld [smem:$0x3F9A];
	_ =	swait.ge [sflag:s4], $0x0  }
0x19: {  	s7 =	sld [smem:$0x3F9B]  }
0x1a: {  	s8 =	sadd.s32 $0xFFFFE003, lr  }
0x1b: {  	s9 =	sadd.s32 $0xFFFFFEF7, lr;
	s5 =	simm.s32 $0xFFFFFFFF;
	p2 =	slt.u32 s8, $0xFFFFF086  }
0x1c: {  	p1 =	slt.u32 s9, $0xF7A;
	s5 =	simm.s32 @!p2 $0x0  }
0x1d: {  	s5 =	simm.s32 @p1 $0x1;
	p0 =	seq.s32 s7, s2  }
0x1e: {  	s7 =	smul.u32 @!p0 $0xF7A, s2;
	p2 =	seq.s32 @!p0 s5, $0x0  }
0x1f: {  	s9 =	smul.u32 $0xF7A, s1;
	s8 =	simm.s32 @!p0 $0x1BF5;
	p2 =	por !p2, p0  }
0x20: {  	[sflag:s8] =	ssyncset.s32 @!p0 $0xFFFFF086;
	s6 =	sadd.s32 @!p0 s3, s7;
	s7 =	simm.s32 @!p0 $0x108  }
0x21: {  	s3 =	sadd.s32 s3, s9;
	s6 =	sadd.s32 @!p0 $0x88, s6;
	s7 =	simm.s32 @p2 $0x1082  }
0x22: {  	[simem:s7], [sflag:s8] =	dma.local @!p0 [hbm:s6], $0xF7A  }
0x23: {  	s9 =	sor.u32 $0xD0000000, s2;
	s6 =	simm.s32 $0x108;
	_ =	swait.ge @!p0 [sflag:s8], $0x0  }
0x24: {  	s3 =	sadd.s32 $0x88, s3;
	s6 =	simm.s32 @!p1 $0x1082;
	[sflag:s4] =	ssyncset.s32 $0xFFFFF086  }
0x25: {  	[simem:s6], [sflag:s4] =	dma.local [hbm:s3], $0xF7A  }
0x26: {  	[smem:$0x3F9B] =	sst s1;
	(tag) =	ssettag s2;
	_ =	strace s9  }
0x27: {  	s1 =	sld [smem:$0x3FAB]  }
0x28: {  	s2 =	sld [smem:$0x3FAC]  }
0x29: {  	s4 =	sld [smem:$0x3FAE]  }
0x2a: {  	p0 =	seq.s32 s5, $0x0;
	s5 =	sld [smem:$0x3FAF]  }
0x2b: {  	s6 =	sld [smem:$0x3FB0]  }
0x2c: {  	s7 =	sld [smem:$0x3FB1]  }
0x2d: {  	s3 =	simm.s32 $0x108;
	s8 =	sld [smem:$0x3FB2]  }
0x2e: {  	s3 =	simm.s32 @!p0 $0x1082;
	s9 =	sld [smem:$0x3FB3]  }
0x2f: {  	lr =	sadd.s32 s0, s3;
	s0 =	sld [smem:$0x3FAA]  }
0x30: {  	s3 =	sld [smem:$0x3FAD]  }
0x31: {  	[smem:$0x3FB6] =	sst s10  }
0x32: {  	s10 =	sld [smem:$0x3FB4];
	_ =	sdelay $0x3  }
0x33: {  	p0 =	seq.s32 s10, $0x1;
	s10 =	sld [smem:$0x3FB6];
	_ =	sdelay $0x3  }
0x34: {  	[smem:$0x3FB6] =	sst s10  }
0x35: {  	s10 =	sld [smem:$0x3FB5];
	_ =	sdelay $0x3  }
0x36: {  	p1 =	seq.s32 s10, $0x1;
	s10 =	sld [smem:$0x3FB6];
	_ =	sdelay $0x3  }
0x37: {  	[smem:$0x3FB6] =	sst s10  }
0x38: {  	s10 =	sld [smem:$0x3FB7]  }
0x39: {  	_ = 	snop;
	(pc) =	sbr.ind lr, $3  }
0x3a: {  	_ = 	snop  }
0x3b: {  	_ = 	snop  }
0x3c: {  	p2 =	seq.s32 s10, $0x1;
	s10 =	sld [smem:$0x3FB6]  }
0x3d: {  	_ =	shalt  }
0x3e: {  	_ =	shalt  }
0x3f: {  	_ =	shalt  }
0x40: {  	_ =	shalt  }
0x41: {  	_ =	shalt  }
0x42: {  	_ =	shalt  }
0x43: {  	_ =	shalt  }
0x44: {  	_ =	shalt  }
0x45: {  	_ =	shalt  }
0x46: {  	_ =	shalt  }
0x47: {  	_ =	shalt  }
0x48: {  	_ =	shalt  }
0x49: {  	_ =	shalt  }
0x4a: {  	_ =	shalt  }
0x4b: {  	_ =	shalt  }
0x4c: {  	_ =	shalt  }
0x4d: {  	_ =	shalt  }
0x4e: {  	_ =	shalt  }
0x4f: {  	_ =	shalt  }
0x50: {  	_ =	shalt  }
0x51: {  	_ =	shalt  }
0x52: {  	_ =	shalt  }
0x53: {  	_ =	shalt  }
0x54: {  	_ =	shalt  }
0x55: {  	_ =	shalt  }
0x56: {  	_ =	shalt  }
0x57: {  	_ =	shalt  }
0x58: {  	_ =	shalt  }
0x59: {  	_ =	shalt  }
0x5a: {  	_ =	shalt  }
0x5b: {  	_ =	shalt  }
0x5c: {  	_ =	shalt  }
0x5d: {  	_ =	shalt  }
0x5e: {  	_ =	shalt  }
0x5f: {  	_ =	shalt  }
0x60: {  	_ =	shalt  }
0x61: {  	_ =	shalt  }
0x62: {  	_ =	shalt  }
0x63: {  	_ =	shalt  }
0x64: {  	_ =	shalt  }
0x65: {  	_ =	shalt  }
0x66: {  	_ =	shalt  }
0x67: {  	_ =	shalt  }
0x68: {  	_ =	shalt  }
0x69: {  	_ =	shalt  }
0x6a: {  	_ =	shalt  }
0x6b: {  	_ =	shalt  }
0x6c: {  	_ =	shalt  }
0x6d: {  	_ =	shalt  }
0x6e: {  	_ =	shalt  }
0x6f: {  	_ =	shalt  }
0x70: {  	_ =	shalt  }
0x71: {  	_ =	shalt  }
0x72: {  	_ =	shalt  }
0x73: {  	_ =	shalt  }
0x74: {  	_ =	shalt  }
0x75: {  	_ =	shalt  }
0x76: {  	_ =	shalt  }
0x77: {  	_ =	shalt  }
0x78: {  	_ =	shalt  }
0x79: {  	_ =	shalt  }
0x7a: {  	_ =	shalt  }
0x7b: {  	_ =	shalt  }
0x7c: {  	_ =	shalt  }
0x7d: {  	_ =	shalt  }
0x7e: {  	_ =	shalt  }
0x7f: {  	_ =	shalt  }
0x80: {  	_ =	shalt  }
0x81: {  	_ =	shalt  }
0x82: {  	_ =	shalt  }
0x83: {  	_ =	shalt  }
0x84: {  	_ =	shalt  }
0x85: {  	_ =	shalt  }
0x86: {  	_ =	shalt  }
0x87: {  	_ =	shalt  }
.Lfunc_end0:
.L_simem_size_0:
called_computation.2_lowered:
.L_overlay_start_0:
0x88: {  	s2 =	sld [smem:$0x3FD9]  }
0x89: {  	s3 =	sld [smem:$0x3FFE];
	_ =	sdelay $0x1  }
0x8a: {  	s1 =	srdreg.scid  }
0x8b: {  	s0 =	sand.u32 $0x1, s1  }
0x8c: {  	s17 =	sshll.u32 s0, $0xA;
	s2 =	sadd.s32 s3, s2  }
0x8d: {  	s2 =	sadd.s32 s2, s17  }
0x8e: {  	[smem:$0x3FC2] =	sst s2  }
0x8f: {  	_ = 	snop  }
0x90: {  	s2 =	sld [smem:$0x3FD0];
	(tm) =	ssettm $0x1  }
0x91: {  	s18 =	sld [smem:$0x3FFB];
	_ =	sdelay $0x3  }
0x92: {  	_ =	strace s18  }
0x93: {  	s3 =	sld [smem:$0x3FFC];
	_ =	sdelay $0x3  }
0x94: {  	_ =	strace s3  }
0x95: {  	s3 =	sld [smem:$0x3FFD];
	_ =	sdelay $0x3  }
0x96: {  	_ =	strace s3  }
0x97: {  	_ =	strace $0x8FFFFFFF  }
0x98: {  	s19 =	sld [smem:$0x3FDB];
	_ =	sdelay $0x1  }
0x99: {  	s4 =	simm.s32 $_scs_section_size  }
0x9a: {  	s5 =	simm.s32 $_size__tile_overlayer_lowered;
	s6 =	simm.s32 $_tile_overlayer_lowered  }
0x9b: {  	s22 =	simm.s32 $0x1BFF;
	s21 =	sshll.u32 s6, $0x1;
	s3 =	sadd.s32 s4, s19  }
0x9c: {  	s7 =	simm.s32 $0x0;
	s20 =	sshll.u32 s5, $0x1;
	s5 =	sadd.s32 s21, s3  }
0x9d: {  	[timem:s7], [sflag:s22] =	dma.local [hbm:s5], s20  }
0x9e: {  	_ =	swait.ge [sflag:s22], s20  }
0x9f: {  	s4 =	ssub.s32 $0x0, s20;
	[sflag:s22] =	ssyncset.done $0x0  }
0xa0: {  	[sflag:s22] =	ssyncadd.s32 s4;
	_ =	sdelay $0x1  }
0xa1: {  	s23 =	simm.s32 $0x1B8B  }
0xa2: {  	_ =	swait.ge [sflag:s23], $0x1  }
0xa3: {  	[sflag:s23] =	ssyncset.done $0x0  }
0xa4: {  	s25 =	simm.s32 $0x1B8E;
	s24 =	sld [smem:$0x3FFE];
	[sflag:s23] =	ssyncadd.s32 $0xFFFFFFFF  }
0xa5: {  	s26 =	simm.s32 $execute0_lowered;
	[smem:$0x3FD2] =	sst s25  }
0xa6: {  	s5 =	sshll.u32 s26, $0x1;
	_ =	strace $0x8000004C;
	[dreg:$0x1] =	wrdreg $0xFFFFFFFF  }
0xa7: {  	s28 =	simm.s32 $_size_execute0_lowered;
	s3 =	sadd.s32 s3, s5;
	[dreg:$0x0] =	wrdreg $0x0  }
0xa8: {  	s5 =	sshll.u32 s28, $0x1;
	[dreg:$0x2] =	wrdreg s3  }
0xa9: {  	[dreg:$0x3] =	wrdreg s5  }
0xaa: {  	[dreg:$0x4] =	wrdreg $0xC0  }
0xab: {  	_ =	task [dreg:s7], $0x5FFFF  }
0xac: {  	[dreg:$0x1] =	wrdreg $0xFFFFFFFF  }
0xad: {  	[dreg:$0x0] =	wrdreg $0x60  }
0xae: {  	[dreg:$0x2] =	wrdreg s24  }
0xaf: {  	[dreg:$0x3] =	wrdreg s2  }
0xb0: {  	[dreg:$0x4] =	wrdreg $0x74000  }
0xb1: {  	[dreg:$0x5] =	wrdreg $0x9  }
0xb2: {  	_ =	task.clear_ibuf [dreg:s7], $0x6FFFF;
	_ =	strace $0x9000004C  }
0xb3: {  	s29 =	simm.s32 $0x9;
	_ =	strace $0x8000004E  }
0xb4: {  	_ =	swait.ge [sflag:s29], $0x1  }
0xb5: {  	[sflag:s29] =	ssyncadd.s32 $0xFFFFFFFF  }
0xb6: {  	_ =	strace $0x9000004E  }
0xb7: {  	_ =	sfence  }
0xb8: {  	s30 =	sld [smem:$0x0];
	_ =	sdelay $0x2  }
0xb9: {  	s31 =	sshll.u32 s1, $0xD;
	s1 =	sshrl.u32 s1, $0x2  }
0xba: {  	s3 =	sand.u32 $0x4000, s31;
	s1 =	sadd.s32 s1, s30  }
0xbb: {  	s0 =	sor.u32 s3, s0;
	s1 =	sshll.u32 s1, $0x11  }
0xbc: {  	s0 =	sor.u32 s1, s0  }
0xbd: {  	s0 =	sadd.s32 $0x8F2B, s0  }
0xbe: {  	[sflag:s0] =	ssyncadd.remote.s32 $0x1  }
0xbf: {  	_ =	sfence.sel $0xFFFF  }
0xc0: {  	[dreg:$0x0] =	wrdreg $0xFFFFFFFF;
	(pc) =	sbr.abs _section_cstart, $3  }
0xc1: {  	[dreg:$0x1] =	wrdreg $0xFFFFFFFF  }
0xc2: {  	_ =	task.clear_ibuf [dreg:s7], $0x2FFFF;
	_ =	strace $0x9FFFFFFF  }
0xc3: {  	(tm) =	ssettm $0x7FFFFFFF  }
tec
execute0_lowered:
.L_overlay_start_1:
0x0: {  	(tag) =	ssettag $0x1  }
0x1: {  	s0 =	rddreg [dreg:$0x0]  }
0x2: {  	s1 =	rddreg [dreg:$0x1]  }
0x3: {  	s2 =	rddreg [dreg:$0x2]  }
0x4: {  	s3 =	srdreg.scid;
	s14 =	stileid.u32  }
0x5: {  	s11 =	simm.s32 $0x2A00;
	s12 =	simm.s32 $0x80;
	s13 =	simm.s32 $0x5400  }
0x6: {  	s17 =	simm.s32 $0x1;
	s19 =	simm.s32 $0x6400;
	s20 =	simm.s32 $0x2  }
0x7: {  	s23 =	simm.s32 $0x6C00;
	s29 =	simm.s32 $0x4;
	s30 =	simm.s32 $0x2B80  }
0x8: {  	s31 =	simm.s32 $0x6;
	s18 =	simm.s32 $0x8;
	s21 =	simm.s32 $0x0  }
0x9: {  	s4 =	sand.u32 $0x1, s3;
	s5 =	sshll.u32 s14, $0x1;
	s7 =	smul.u32 $0x2780, s14  }
0xa: {  	s3 =	simm.s32 $0x0;
	s28 =	sshll.u32 s14, $0x6;
	s14 =	simm.s32 $0x5C00  }
0xb: {  	s5 =	sor.u32 s4, s5;
	s6 =	smul.u32 $0x27800, s4;
	[smem:$0x7FF] =	sst s3  }
0xc: {  	s8 =	ssub.s32 $0x2, s4;
	s4 =	sadd.s32 $0xCA00, s0;
	s15 =	sor.u32 $0x1C09, s28  }
0xd: {  	s5 =	smul.u32 $0x540, s5;
	_ =	strace $0x8000004D;
	s25 =	sshrl.u32 s8, $0x1  }
0xe: {  	s26 =	sshrl.u32 s7, $0x3;
	s16 =	sadd.s32 s7, s2;
	s6 =	sadd.s32 s7, s6  }
0xf: {  	s10 =	ssub.s32 s8, s25;
	s7 =	sadd.s32 s1, s26;
	s16 =	sshrl.u32 s16, $0x3  }
0x10: {  	s26 =	simm.s32 $0x5;
	s9 =	sadd.s32 s5, s0;
	s24 =	sshrl.u32 s6, $0x3  }
0x11: {  	s1 =	simm.s32 $0x7;
	s0 =	sadd.s32 s24, s0;
	s5 =	sadd.s32 $0xE6000, s9  }
0x12: {  	s6 =	sadd.s32 $0x2200, s9;
	s9 =	smax.u32 s10, $0x1;
	s10 =	simm.s32 $0x9  }
0x13: {  	s24 =	simm.s32 $0x3;
	s8 =	sadd.s32 $0x11A00, s0;
	s0 =	simm.s32 $0x280  }
.LBB2_1:
0x14: {  	[tilespmem:s3], [sflag:$0x9] =	stream.linear.gather [hbm4b:s5+s3], $0x2A00, $0x38;
	[tilespmem:$0x9B80] =	vst v63  }
0x15: {  	_ =	swait.ge [sflag:s10], $0x2A00  }
0x16: {  	[sflag:s10] =	ssyncset.done $0x0  }
0x17: {  	[sflag:s10] =	ssyncadd.s32 $0xFFFFD600  }
0x18: {  	[tilespmem:s11], [sflag:$0x9] =	stream.linear.gather [hbm4b:s6+s3], $0x2A00, $0x38;
	[tilespmem:$0x9B80] =	vst v63  }
0x19: {  	_ =	swait.ge [sflag:s10], $0x2A00  }
0x1a: {  	[sflag:s10] =	ssyncset.done $0x0  }
0x1b: {  	[sflag:s10] =	ssyncadd.s32 $0xFFFFD600  }
0x1c: {  	[tilespmem:s13], [sflag:$0x1] =	stream.indirect.gather [hbm4b:s4+s12], $0x10, s3, s12, $0xb8;
	[tilespmem:$0x9B80] =	vst v63  }
0x1d: {  	_ = 	snop  }
0x1e: {  	[tilespmem:s14], [sflag:$0x2] =	stream.indirect.gather [hbm4b:s4+s12], $0x10, s12, s12, $0xb8;
	[tilespmem:$0x9B80] =	vst v63  }
0x1f: {  	[spmem:s16], [sflag:s15] =	dma.local [hbm:s7], $0x4F0  }
0x20: {  	_ =	swait.ge [sflag:s10], $0x4F0  }
0x21: {  	[sflag:s10] =	ssyncset.done $0x0  }
0x22: {  	[sflag:s10] =	ssyncadd.s32 $0xFFFFFB10  }
0x23: {  	[bflag:$0x0] =	sbarrier.arrive $0xFFFF  }
0x24: {  	_ =	swait.ge [sflag:s17], $0x800  }
0x25: {  	[sflag:s17] =	ssyncset.done $0x0  }
0x26: {  	[sflag:s17] =	ssyncadd.s32 $0xFFFFF800  }
0x27: {  	[spmem:s2] =	stream.indirect.scatter.add.f32 [tilespmem:s13], [sflag:$0x5], $0x10, s11, s12, $0xb8;
	[tilespmem:$0x9B80] =	vst v63  }
0x28: {  	s22 =	simm.s32 $0x100  }
0x29: {  	[tilespmem:s19], [sflag:$0x3] =	stream.indirect.gather [hbm4b:s4+s12], $0x10, s22, s12, $0xb8;
	[tilespmem:$0x9B80] =	vst v63  }
0x2a: {  	_ =	swait.ge [sflag:s20], $0x800  }
0x2b: {  	[sflag:s20] =	ssyncset.done $0x0  }
0x2c: {  	s28 =	simm.s32 $0x2A80;
	[sflag:s20] =	ssyncadd.s32 $0xFFFFF800  }
0x2d: {  	[spmem:s2] =	stream.indirect.scatter.add.f32 [tilespmem:s14], [sflag:$0x6], $0x10, s28, s12, $0xb8;
	[tilespmem:$0x9B80] =	vst v63  }
0x2e: {  	s25 =	simm.s32 $0x180  }
0x2f: {  	[tilespmem:s23], [sflag:$0x4] =	stream.indirect.gather [hbm4b:s4+s12], $0x10, s25, s12, $0xb8;
	[tilespmem:$0x9B80] =	vst v63  }
0x30: {  	_ =	swait.ge [sflag:s24], $0x800  }
0x31: {  	[sflag:s24] =	ssyncset.done $0x0  }
0x32: {  	s28 =	simm.s32 $0x2B00;
	[sflag:s24] =	ssyncadd.s32 $0xFFFFF800  }
0x33: {  	[spmem:s2] =	stream.indirect.scatter.add.f32 [tilespmem:s19], [sflag:$0x7], $0x10, s28, s12, $0xb8;
	[tilespmem:$0x9B80] =	vst v63  }
0x34: {  	_ =	swait.ge [sflag:s26], $0x800  }
0x35: {  	[sflag:s26] =	ssyncset.done $0x0  }
0x36: {  	s25 =	simm.s32 $0x200;
	[sflag:s26] =	ssyncadd.s32 $0xFFFFF800  }
0x37: {  	[tilespmem:s13], [sflag:$0x1] =	stream.indirect.gather [hbm4b:s4+s12], $0x10, s25, s12, $0xb8;
	[tilespmem:$0x9B80] =	vst v63  }
0x38: {  	_ =	swait.ge [sflag:s29], $0x800  }
0x39: {  	[sflag:s29] =	ssyncset.done $0x0  }
0x3a: {  	[sflag:s29] =	ssyncadd.s32 $0xFFFFF800  }
0x3b: {  	[spmem:s2] =	stream.indirect.scatter.add.f32 [tilespmem:s23], [sflag:$0x8], $0x10, s30, s12, $0xb8;
	[tilespmem:$0x9B80] =	vst v63  }
0x3c: {  	_ =	swait.ge [sflag:s31], $0x800  }
0x3d: {  	[sflag:s31] =	ssyncset.done $0x0  }
0x3e: {  	[sflag:s31] =	ssyncadd.s32 $0xFFFFF800  }
0x3f: {  	[tilespmem:s14], [sflag:$0x2] =	stream.indirect.gather [hbm4b:s4+s12], $0x10, s0, s12, $0xb8;
	[tilespmem:$0x9B80] =	vst v63  }
0x40: {  	_ =	swait.ge [sflag:s17], $0x800  }
0x41: {  	[sflag:s17] =	ssyncset.done $0x0  }
0x42: {  	s28 =	simm.s32 $0x2C00;
	[sflag:s17] =	ssyncadd.s32 $0xFFFFF800  }
0x43: {  	[spmem:s2] =	stream.indirect.scatter.add.f32 [tilespmem:s13], [sflag:$0x5], $0x10, s28, s12, $0xb8;
	[tilespmem:$0x9B80] =	vst v63  }
0x44: {  	_ =	swait.ge [sflag:s1], $0x800  }
0x45: {  	[sflag:s1] =	ssyncset.done $0x0  }
0x46: {  	s25 =	simm.s32 $0x300;
	[sflag:s1] =	ssyncadd.s32 $0xFFFFF800  }
0x47: {  	[tilespmem:s19], [sflag:$0x3] =	stream.indirect.gather [hbm4b:s4+s12], $0x10, s25, s12, $0xb8;
	[tilespmem:$0x9B80] =	vst v63  }
0x48: {  	_ =	swait.ge [sflag:s20], $0x800  }
0x49: {  	[sflag:s20] =	ssyncset.done $0x0  }
0x4a: {  	s28 =	simm.s32 $0x2C80;
	[sflag:s20] =	ssyncadd.s32 $0xFFFFF800  }
0x4b: {  	[spmem:s2] =	stream.indirect.scatter.add.f32 [tilespmem:s14], [sflag:$0x6], $0x10, s28, s12, $0xb8;
	[tilespmem:$0x9B80] =	vst v63  }
0x4c: {  	_ =	swait.ge [sflag:s18], $0x800  }
0x4d: {  	[sflag:s18] =	ssyncset.done $0x0  }
0x4e: {  	s25 =	simm.s32 $0x380;
	[sflag:s18] =	ssyncadd.s32 $0xFFFFF800  }
0x4f: {  	[tilespmem:s23], [sflag:$0x4] =	stream.indirect.gather [hbm4b:s4+s12], $0x10, s25, s12, $0xb8;
	[tilespmem:$0x9B80] =	vst v63  }
0x50: {  	_ =	swait.ge [sflag:s24], $0x800  }
0x51: {  	[sflag:s24] =	ssyncset.done $0x0  }
0x52: {  	s28 =	simm.s32 $0x2D00;
	[sflag:s24] =	ssyncadd.s32 $0xFFFFF800  }
0x53: {  	[spmem:s2] =	stream.indirect.scatter.add.f32 [tilespmem:s19], [sflag:$0x7], $0x10, s28, s12, $0xb8;
	[tilespmem:$0x9B80] =	vst v63  }
0x54: {  	_ =	swait.ge [sflag:s26], $0x800  }
0x55: {  	[sflag:s26] =	ssyncset.done $0x0  }
0x56: {  	s25 =	simm.s32 $0x400;
	[sflag:s26] =	ssyncadd.s32 $0xFFFFF800  }
0x57: {  	[tilespmem:s13], [sflag:$0x1] =	stream.indirect.gather [hbm4b:s4+s12], $0x10, s25, s12, $0xb8;
	[tilespmem:$0x9B80] =	vst v63  }
0x58: {  	_ =	swait.ge [sflag:s29], $0x800  }
0x59: {  	[sflag:s29] =	ssyncset.done $0x0  }
0x5a: {  	s28 =	simm.s32 $0x2D80;
	[sflag:s29] =	ssyncadd.s32 $0xFFFFF800  }
0x5b: {  	[spmem:s2] =	stream.indirect.scatter.add.f32 [tilespmem:s23], [sflag:$0x8], $0x10, s28, s12, $0xb8;
	[tilespmem:$0x9B80] =	vst v63  }
0x5c: {  	_ =	swait.ge [sflag:s31], $0x800  }
0x5d: {  	[sflag:s31] =	ssyncset.done $0x0  }
0x5e: {  	s22 =	simm.s32 $0x800;
	s25 =	simm.s32 $0x480;
	[sflag:s31] =	ssyncadd.s32 $0xFFFFF800  }
.LBB2_2:
0x5f: {  	[tilespmem:s14], [sflag:$0x2] =	stream.indirect.gather [hbm4b:s4+s12], $0x10, s25, s12, $0xb8;
	[tilespmem:$0x9B80] =	vst v63  }
0x60: {  	s25 =	smov.u32 s22  }
0x61: {  	p0 =	sne.s32 s22, $0x9000;
	s22 =	sadd.s32 $0x800, s22;
	_ =	swait.ge [sflag:s17], $0x800  }
0x62: {  	s25 =	sshra.s32 s25, $0x2;
	[sflag:s17] =	ssyncset.done $0x0  }
0x63: {  	s28 =	sadd.s32 $0x2C00, s25;
	[sflag:s17] =	ssyncadd.s32 $0xFFFFF800  }
0x64: {  	[spmem:s2] =	stream.indirect.scatter.add.f32 [tilespmem:s13], [sflag:$0x5], $0x10, s28, s12, $0xb8;
	[tilespmem:$0x9B80] =	vst v63  }
0x65: {  	_ =	swait.ge [sflag:s1], $0x800  }
0x66: {  	[sflag:s1] =	ssyncset.done $0x0  }
0x67: {  	s28 =	sadd.s32 $0x300, s25;
	[sflag:s1] =	ssyncadd.s32 $0xFFFFF800  }
0x68: {  	[tilespmem:s19], [sflag:$0x3] =	stream.indirect.gather [hbm4b:s4+s12], $0x10, s28, s12, $0xb8;
	[tilespmem:$0x9B80] =	vst v63  }
0x69: {  	_ =	swait.ge [sflag:s20], $0x800  }
0x6a: {  	[sflag:s20] =	ssyncset.done $0x0  }
0x6b: {  	s28 =	sadd.s32 $0x2C80, s25;
	[sflag:s20] =	ssyncadd.s32 $0xFFFFF800  }
0x6c: {  	[spmem:s2] =	stream.indirect.scatter.add.f32 [tilespmem:s14], [sflag:$0x6], $0x10, s28, s12, $0xb8;
	[tilespmem:$0x9B80] =	vst v63  }
0x6d: {  	_ =	swait.ge [sflag:s18], $0x800  }
0x6e: {  	[sflag:s18] =	ssyncset.done $0x0  }
0x6f: {  	s28 =	sadd.s32 $0x380, s25;
	[sflag:s18] =	ssyncadd.s32 $0xFFFFF800  }
0x70: {  	[tilespmem:s23], [sflag:$0x4] =	stream.indirect.gather [hbm4b:s4+s12], $0x10, s28, s12, $0xb8;
	[tilespmem:$0x9B80] =	vst v63  }
0x71: {  	_ =	swait.ge [sflag:s24], $0x800  }
0x72: {  	[sflag:s24] =	ssyncset.done $0x0  }
0x73: {  	s28 =	sadd.s32 $0x2D00, s25;
	[sflag:s24] =	ssyncadd.s32 $0xFFFFF800  }
0x74: {  	[spmem:s2] =	stream.indirect.scatter.add.f32 [tilespmem:s19], [sflag:$0x7], $0x10, s28, s12, $0xb8;
	[tilespmem:$0x9B80] =	vst v63  }
0x75: {  	_ =	swait.ge [sflag:s26], $0x800  }
0x76: {  	[sflag:s26] =	ssyncset.done $0x0  }
0x77: {  	s28 =	sadd.s32 $0x400, s25;
	[sflag:s26] =	ssyncadd.s32 $0xFFFFF800  }
0x78: {  	[tilespmem:s13], [sflag:$0x1] =	stream.indirect.gather [hbm4b:s4+s12], $0x10, s28, s12, $0xb8;
	[tilespmem:$0x9B80] =	vst v63  }
0x79: {  	_ =	swait.ge [sflag:s29], $0x800  }
0x7a: {  	[sflag:s29] =	ssyncset.done $0x0  }
.Ltmp0:
0x7b: {  	s28 =	sadd.s32 $0x2D80, s25;
	[sflag:s29] =	ssyncadd.s32 $0xFFFFF800;
	(pc) =	sbr.rel @p0 .LBB2_2-.Ltmp0, $4  }
0x7c: {  	[spmem:s2] =	stream.indirect.scatter.add.f32 [tilespmem:s23], [sflag:$0x8], $0x10, s28, s12, $0xb8;
	[tilespmem:$0x9B80] =	vst v63  }
0x7d: {  	_ =	swait.ge [sflag:s31], $0x800  }
0x7e: {  	[sflag:s31] =	ssyncset.done $0x0  }
0x7f: {  	s25 =	sadd.s32 $0x480, s25;
	[sflag:s31] =	ssyncadd.s32 $0xFFFFF800  }
0x80: {  	[tilespmem:s14], [sflag:$0x2] =	stream.indirect.gather [hbm4b:s4+s12], $0x10, s25, s12, $0xb8;
	[tilespmem:$0x9B80] =	vst v63  }
0x81: {  	_ =	swait.ge [sflag:s1], $0x800  }
0x82: {  	[sflag:s1] =	ssyncset.done $0x0  }
0x83: {  	[sflag:s1] =	ssyncadd.s32 $0xFFFFF800  }
0x84: {  	_ =	swait.ge [sflag:s18], $0x800  }
0x85: {  	[sflag:s18] =	ssyncset.done $0x0  }
0x86: {  	[sflag:s18] =	ssyncadd.s32 $0xFFFFF800  }
0x87: {  	_ =	swait.ge [sflag:s17], $0x800  }
0x88: {  	[sflag:s17] =	ssyncset.done $0x0  }
0x89: {  	[sflag:s17] =	ssyncadd.s32 $0xFFFFF800  }
0x8a: {  	_ =	swait.ge [sflag:s20], $0x800  }
0x8b: {  	s21 =	sadd.s32 $0x1, s21;
	[sflag:s20] =	ssyncset.done $0x0  }
0x8c: {  	p0 =	sne.s32 s21, s9;
	[sflag:s20] =	ssyncadd.s32 $0xFFFFF800  }
.Ltmp1:
0x8d: {  	[bflag:$0x0] =	sbarrier.arrive $0xFFFF;
	(pc) =	sbr.rel @p0 .LBB2_1-.Ltmp1, $4  }
0x8e: {  	[hbm:s8], [sflag:s15] =	dma.local [spmem:s16], $0x4F0  }
0x8f: {  	_ =	swait.ge [sflag:s10], $0x4F0  }
0x90: {  	[sflag:s10] =	ssyncset.done $0x0  }
0x91: {  	[sflag:s10] =	ssyncadd.s32 $0xFFFFFB10  }
0x92: {  	_ =	sfence.sel $0x180000  }
0x93: {  	[bflag:$0x0] =	sbarrier.arrive $0xFFFF  }
0x94: {  	_ =	strace $0x9000004D  }
0x95: {  	s0 =	stileid.u32;
	[bflag:$0x2] =	sbarrier.arrive $0xFFFF  }
0x96: {  	p0 =	sne.s32 s0, $0x0;
	s0 =	rddreg [dreg:$0x3]  }
0x97: {  	s0 =	sadd.s32 @!p0 $0x100000, s0  }
0x98: {  	[sflag:s0] =	ssyncadd.tile.s32 @!p0 $0x1;
	_ =	shalt  }
.Lfunc_end2:
_tile_overlayer_lowered:
.L_overlay_start_2:
0x99: {  	(tag) =	ssettag $0x2  }
0x9a: {  	s0 =	rddreg [dreg:$0x0];
	s2 =	stileid.u32  }
0x9b: {  	s1 =	rddreg [dreg:$0x1];
	p0 =	sne.s32 s2, $0x0  }
0x9c: {  	s3 =	rddreg [dreg:$0x2];
	[bflag:$0x3] =	sbarrier.arrive $0xFFFF;
	s2 =	simm.s32 @!p0 $0x1C09  }
0x9d: {  	[timem:s3], [sflag:s2] =	dma.local @!p0 [hbm:s0], s1  }
0x9e: {  	s0 =	simm.s32 @!p0 $0x9  }
0x9f: {  	_ =	swait.ge @!p0 [sflag:s0], s1  }
0xa0: {  	s1 =	ssub.s32 @!p0 $0x0, s1;
	[sflag:s0] =	ssyncset.done @!p0 $0x0  }
0xa1: {  	[sflag:s0] =	ssyncadd.s32 @!p0 s1  }
0xa2: {  	[bflag:$0x3] =	sbarrier.arrive $0xFFFF  }
0xa3: {  	_ =	shalt  }

// kernel: kernel.8.cloned.1.call-start
scs
__scs_entry_jumppad:
0x0: {  	(pc) =	sbr.rel $0x88, $3  }
0x1: {  	(tag) =	ssettag $0x0;
	lr =	simm.s32 $0x1  }
0x2: {  	[smem:$0x3F9B] =	sst lr;
	_ =	strace $0xD0000000  }
0x3: {  	_ = 	snop  }
0x4: {  	_ = 	snop  }
0x5: {  	_ = 	snop  }
0x6: {  	_ = 	snop  }
0x7: {  	_ = 	snop  }
__scs_overlays_trampoline_lowered:
0x8: {  	[smem:$0x3FAA] =	sst s0  }
0x9: {  	[smem:$0x3FAB] =	sst s1  }
0xa: {  	[smem:$0x3FAC] =	sst s2  }
0xb: {  	[smem:$0x3FAD] =	sst s3  }
0xc: {  	[smem:$0x3FAE] =	sst s4  }
0xd: {  	[smem:$0x3FAF] =	sst s5  }
0xe: {  	[smem:$0x3FB0] =	sst s6  }
0xf: {  	[smem:$0x3FB1] =	sst s7  }
0x10: {  	[smem:$0x3FB2] =	sst s8  }
0x11: {  	[smem:$0x3FB3] =	sst s9;
	s0 =	simm.s32 @!p0 $0x0  }
0x12: {  	s1 =	sld [smem:$0x3F99];
	s0 =	simm.s32 @p0 $0x1  }
0x13: {  	[smem:$0x3FB4] =	sst s0;
	s0 =	simm.s32 @!p1 $0x0  }
0x14: {  	s2 =	sld [smem:$0x3F98];
	s0 =	simm.s32 @p1 $0x1  }
0x15: {  	[smem:$0x3FB5] =	sst s0;
	s0 =	simm.s32 @!p2 $0x0  }
0x16: {  	s3 =	sld [smem:$0x3FDB];
	s0 =	simm.s32 @p2 $0x1  }
0x17: {  	s4 =	simm.s32 $0x1BF5;
	[smem:$0x3FB7] =	sst s0  }
0x18: {  	s0 =	sld [smem:$0x3F9A];
	_ =	swait.ge [sflag:s4], $0x0  }
0x19: {  	s7 =	sld [smem:$0x3F9B]  }
0x1a: {  	s8 =	sadd.s32 $0xFFFFE003, lr  }
0x1b: {  	s9 =	sadd.s32 $0xFFFFFEF7, lr;
	s5 =	simm.s32 $0xFFFFFFFF;
	p2 =	slt.u32 s8, $0xFFFFF086  }
0x1c: {  	p1 =	slt.u32 s9, $0xF7A;
	s5 =	simm.s32 @!p2 $0x0  }
0x1d: {  	s5 =	simm.s32 @p1 $0x1;
	p0 =	seq.s32 s7, s2  }
0x1e: {  	s7 =	smul.u32 @!p0 $0xF7A, s2;
	p2 =	seq.s32 @!p0 s5, $0x0  }
0x1f: {  	s9 =	smul.u32 $0xF7A, s1;
	s8 =	simm.s32 @!p0 $0x1BF5;
	p2 =	por !p2, p0  }
0x20: {  	[sflag:s8] =	ssyncset.s32 @!p0 $0xFFFFF086;
	s6 =	sadd.s32 @!p0 s3, s7;
	s7 =	simm.s32 @!p0 $0x108  }
0x21: {  	s3 =	sadd.s32 s3, s9;
	s6 =	sadd.s32 @!p0 $0x88, s6;
	s7 =	simm.s32 @p2 $0x1082  }
0x22: {  	[simem:s7], [sflag:s8] =	dma.local @!p0 [hbm:s6], $0xF7A  }
0x23: {  	s9 =	sor.u32 $0xD0000000, s2;
	s6 =	simm.s32 $0x108;
	_ =	swait.ge @!p0 [sflag:s8], $0x0  }
0x24: {  	s3 =	sadd.s32 $0x88, s3;
	s6 =	simm.s32 @!p1 $0x1082;
	[sflag:s4] =	ssyncset.s32 $0xFFFFF086  }
0x25: {  	[simem:s6], [sflag:s4] =	dma.local [hbm:s3], $0xF7A  }
0x26: {  	[smem:$0x3F9B] =	sst s1;
	(tag) =	ssettag s2;
	_ =	strace s9  }
0x27: {  	s1 =	sld [smem:$0x3FAB]  }
0x28: {  	s2 =	sld [smem:$0x3FAC]  }
0x29: {  	s4 =	sld [smem:$0x3FAE]  }
0x2a: {  	p0 =	seq.s32 s5, $0x0;
	s5 =	sld [smem:$0x3FAF]  }
0x2b: {  	s6 =	sld [smem:$0x3FB0]  }
0x2c: {  	s7 =	sld [smem:$0x3FB1]  }
0x2d: {  	s3 =	simm.s32 $0x108;
	s8 =	sld [smem:$0x3FB2]  }
0x2e: {  	s3 =	simm.s32 @!p0 $0x1082;
	s9 =	sld [smem:$0x3FB3]  }
0x2f: {  	lr =	sadd.s32 s0, s3;
	s0 =	sld [smem:$0x3FAA]  }
0x30: {  	s3 =	sld [smem:$0x3FAD]  }
0x31: {  	[smem:$0x3FB6] =	sst s10  }
0x32: {  	s10 =	sld [smem:$0x3FB4];
	_ =	sdelay $0x3  }
0x33: {  	p0 =	seq.s32 s10, $0x1;
	s10 =	sld [smem:$0x3FB6];
	_ =	sdelay $0x3  }
0x34: {  	[smem:$0x3FB6] =	sst s10  }
0x35: {  	s10 =	sld [smem:$0x3FB5];
	_ =	sdelay $0x3  }
0x36: {  	p1 =	seq.s32 s10, $0x1;
	s10 =	sld [smem:$0x3FB6];
	_ =	sdelay $0x3  }
0x37: {  	[smem:$0x3FB6] =	sst s10  }
0x38: {  	s10 =	sld [smem:$0x3FB7]  }
0x39: {  	_ = 	snop;
	(pc) =	sbr.ind lr, $3  }
0x3a: {  	_ = 	snop  }
0x3b: {  	_ = 	snop  }
0x3c: {  	p2 =	seq.s32 s10, $0x1;
	s10 =	sld [smem:$0x3FB6]  }
0x3d: {  	_ =	shalt  }
0x3e: {  	_ =	shalt  }
0x3f: {  	_ =	shalt  }
0x40: {  	_ =	shalt  }
0x41: {  	_ =	shalt  }
0x42: {  	_ =	shalt  }
0x43: {  	_ =	shalt  }
0x44: {  	_ =	shalt  }
0x45: {  	_ =	shalt  }
0x46: {  	_ =	shalt  }
0x47: {  	_ =	shalt  }
0x48: {  	_ =	shalt  }
0x49: {  	_ =	shalt  }
0x4a: {  	_ =	shalt  }
0x4b: {  	_ =	shalt  }
0x4c: {  	_ =	shalt  }
0x4d: {  	_ =	shalt  }
0x4e: {  	_ =	shalt  }
0x4f: {  	_ =	shalt  }
0x50: {  	_ =	shalt  }
0x51: {  	_ =	shalt  }
0x52: {  	_ =	shalt  }
0x53: {  	_ =	shalt  }
0x54: {  	_ =	shalt  }
0x55: {  	_ =	shalt  }
0x56: {  	_ =	shalt  }
0x57: {  	_ =	shalt  }
0x58: {  	_ =	shalt  }
0x59: {  	_ =	shalt  }
0x5a: {  	_ =	shalt  }
0x5b: {  	_ =	shalt  }
0x5c: {  	_ =	shalt  }
0x5d: {  	_ =	shalt  }
0x5e: {  	_ =	shalt  }
0x5f: {  	_ =	shalt  }
0x60: {  	_ =	shalt  }
0x61: {  	_ =	shalt  }
0x62: {  	_ =	shalt  }
0x63: {  	_ =	shalt  }
0x64: {  	_ =	shalt  }
0x65: {  	_ =	shalt  }
0x66: {  	_ =	shalt  }
0x67: {  	_ =	shalt  }
0x68: {  	_ =	shalt  }
0x69: {  	_ =	shalt  }
0x6a: {  	_ =	shalt  }
0x6b: {  	_ =	shalt  }
0x6c: {  	_ =	shalt  }
0x6d: {  	_ =	shalt  }
0x6e: {  	_ =	shalt  }
0x6f: {  	_ =	shalt  }
0x70: {  	_ =	shalt  }
0x71: {  	_ =	shalt  }
0x72: {  	_ =	shalt  }
0x73: {  	_ =	shalt  }
0x74: {  	_ =	shalt  }
0x75: {  	_ =	shalt  }
0x76: {  	_ =	shalt  }
0x77: {  	_ =	shalt  }
0x78: {  	_ =	shalt  }
0x79: {  	_ =	shalt  }
0x7a: {  	_ =	shalt  }
0x7b: {  	_ =	shalt  }
0x7c: {  	_ =	shalt  }
0x7d: {  	_ =	shalt  }
0x7e: {  	_ =	shalt  }
0x7f: {  	_ =	shalt  }
0x80: {  	_ =	shalt  }
0x81: {  	_ =	shalt  }
0x82: {  	_ =	shalt  }
0x83: {  	_ =	shalt  }
0x84: {  	_ =	shalt  }
0x85: {  	_ =	shalt  }
0x86: {  	_ =	shalt  }
0x87: {  	_ =	shalt  }
.Lfunc_end0:
.L_simem_size_0:
called_computation_lowered:
.L_overlay_start_0:
0x88: {  	s2 =	sld [smem:$0x3FD9]  }
0x89: {  	s3 =	sld [smem:$0x3FFE];
	_ =	sdelay $0x1  }
0x8a: {  	s1 =	srdreg.scid  }
0x8b: {  	s0 =	sand.u32 $0x1, s1  }
0x8c: {  	s16 =	sshll.u32 s0, $0xA;
	s2 =	sadd.s32 s3, s2  }
0x8d: {  	s2 =	sadd.s32 s2, s16  }
0x8e: {  	[smem:$0x3FC2] =	sst s2  }
0x8f: {  	_ = 	snop  }
0x90: {  	(tm) =	ssettm $0x1  }
0x91: {  	s17 =	sld [smem:$0x3FFB];
	_ =	sdelay $0x3  }
0x92: {  	_ =	strace s17  }
0x93: {  	s2 =	sld [smem:$0x3FFC];
	_ =	sdelay $0x3  }
0x94: {  	_ =	strace s2  }
0x95: {  	s2 =	sld [smem:$0x3FFD];
	_ =	sdelay $0x3  }
0x96: {  	_ =	strace s2  }
0x97: {  	_ =	strace $0x8FFFFFFF  }
0x98: {  	s18 =	sld [smem:$0x3FDB];
	_ =	sdelay $0x1  }
0x99: {  	s19 =	simm.s32 $_scs_section_size  }
0x9a: {  	s4 =	simm.s32 $_size__tile_overlayer_lowered;
	s5 =	simm.s32 $_tile_overlayer_lowered  }
0x9b: {  	s22 =	simm.s32 $0x1BFF;
	s21 =	sshll.u32 s5, $0x1;
	s2 =	sadd.s32 s19, s18  }
0x9c: {  	s6 =	simm.s32 $0x0;
	s20 =	sshll.u32 s4, $0x1;
	s4 =	sadd.s32 s21, s2  }
0x9d: {  	[timem:s6], [sflag:s22] =	dma.local [hbm:s4], s20  }
0x9e: {  	_ =	swait.ge [sflag:s22], s20  }
0x9f: {  	s3 =	ssub.s32 $0x0, s20;
	[sflag:s22] =	ssyncset.done $0x0  }
0xa0: {  	[sflag:s22] =	ssyncadd.s32 s3;
	_ =	sdelay $0x1  }
0xa1: {  	s23 =	simm.s32 $0x1B8B  }
0xa2: {  	_ =	swait.ge [sflag:s23], $0x1  }
0xa3: {  	[sflag:s23] =	ssyncset.done $0x0  }
0xa4: {  	s25 =	simm.s32 $0x1B8E;
	s24 =	sld [smem:$0x3FFE];
	[sflag:s23] =	ssyncadd.s32 $0xFFFFFFFF  }
0xa5: {  	s26 =	simm.s32 $execute0_lowered;
	[smem:$0x3FD2] =	sst s25  }
0xa6: {  	s4 =	sshll.u32 s26, $0x1;
	_ =	strace $0x80000046;
	[dreg:$0x1] =	wrdreg $0xFFFFFFFF  }
0xa7: {  	s28 =	simm.s32 $_size_execute0_lowered;
	s2 =	sadd.s32 s2, s4;
	[dreg:$0x0] =	wrdreg $0x0  }
0xa8: {  	s4 =	sshll.u32 s28, $0x1;
	[dreg:$0x2] =	wrdreg s2  }
0xa9: {  	[dreg:$0x3] =	wrdreg s4  }
0xaa: {  	[dreg:$0x4] =	wrdreg $0xC0  }
0xab: {  	_ =	task [dreg:s6], $0x5FFFF  }
0xac: {  	[dreg:$0x1] =	wrdreg $0xFFFFFFFF  }
0xad: {  	[dreg:$0x0] =	wrdreg $0x60  }
0xae: {  	[dreg:$0x2] =	wrdreg s24  }
0xaf: {  	[dreg:$0x3] =	wrdreg $0x9  }
0xb0: {  	_ =	task.clear_ibuf [dreg:s6], $0x4FFFF;
	_ =	strace $0x90000046  }
0xb1: {  	s29 =	simm.s32 $0x9;
	_ =	strace $0x80000048  }
0xb2: {  	_ =	swait.ge [sflag:s29], $0x1  }
0xb3: {  	[sflag:s29] =	ssyncadd.s32 $0xFFFFFFFF  }
0xb4: {  	_ =	strace $0x90000048  }
0xb5: {  	_ =	sfence  }
0xb6: {  	s30 =	sld [smem:$0x0];
	_ =	sdelay $0x2  }
0xb7: {  	s31 =	sshll.u32 s1, $0xD;
	s1 =	sshrl.u32 s1, $0x2  }
0xb8: {  	s3 =	sand.u32 $0x4000, s31;
	s1 =	sadd.s32 s1, s30  }
0xb9: {  	s0 =	sor.u32 s3, s0;
	s1 =	sshll.u32 s1, $0x11  }
0xba: {  	s0 =	sor.u32 s1, s0  }
0xbb: {  	s0 =	sadd.s32 $0x8F2B, s0  }
0xbc: {  	[sflag:s0] =	ssyncadd.remote.s32 $0x1  }
0xbd: {  	_ =	sfence.sel $0xFFFF  }
0xbe: {  	[dreg:$0x0] =	wrdreg $0xFFFFFFFF;
	(pc) =	sbr.abs _section_cstart, $3  }
0xbf: {  	[dreg:$0x1] =	wrdreg $0xFFFFFFFF  }
0xc0: {  	_ =	task.clear_ibuf [dreg:s6], $0x2FFFF;
	_ =	strace $0x9FFFFFFF  }
0xc1: {  	(tm) =	ssettm $0x7FFFFFFF  }
tec
execute0_lowered:
.L_overlay_start_1:
0x0: {  	(tag) =	ssettag $0x1  }
0x1: {  	s1 =	srdreg.scid;
	s0 =	stileid.u32  }
0x2: {  	s4 =	rddreg [dreg:$0x0];
	s3 =	sand.u32 $0x1, s1;
	s30 =	sshll.u32 s0, $0x1  }
0x3: {  	s2 =	simm.s32 $0x0;
	s8 =	simm.s32 $0x0;
	s5 =	sor.u32 s3, s30  }
0x4: {  	s1 =	rddreg [dreg:$0x1];
	s3 =	ssub.s32 $0x2, s3;
	s6 =	smul.u32 $0x540, s5  }
0x5: {  	[smem:$0x7FF] =	sst s2;
	s5 =	smul.u32 $0x4F0, s5;
	s7 =	sshrl.u32 s3, $0x1  }
0x6: {  	_ =	strace $0x80000047;
	s31 =	ssub.s32 s3, s7;
	s7 =	simm.s32 $0x1  }
0x7: {  	s6 =	sadd.s32 s6, s4;
	s4 =	sadd.s32 s5, s4;
	s5 =	smax.u32 s31, $0x1  }
0x8: {  	v0 =	vimm.f32 $0.0e+00;
	v1 =	vimm.f32 $1.000000000e+00;
	s3 =	sadd.s32 $0x2200, s6;
	s4 =	sadd.s32 $0xCA00, s4;
	s6 =	simm.s32 $0x2780  }
.LBB2_1:
0x9: {  	[tilespmem:s6], [sflag:$0x1] =	stream.linear.gather [hbm4b:s3+s2], $0x2800, $0x38;
	[tilespmem:$0x4F80] =	vst v63  }
0xa: {  	_ =	swait.ge [sflag:s7], $0x2800  }
0xb: {  	[sflag:s7] =	ssyncset.done $0x0  }
0xc: {  	s9 =	simm.s32 $0x0;
	[sflag:s7] =	ssyncadd.s32 $0xFFFFD800  }
.LBB2_2:
0xd: {  	p0 =	sne.s32 s9, $0x9DC0  }
.Ltmp0:
0xe: {  	_ = 	snop;
	(pc) =	sbr.rel @p0 .LBB2_2-.Ltmp0, $3  }
0xf: {  	_ =	sdelay $0x1  }
0x10: {  	s10 =	sshra.s32 s9, $0x2  }
0x11: {  	s9 =	sadd.s32 $0x40, s9;
	[tilespmem:s10+$0x0] =	vst v0  }
0x12: {  	s9 =	simm.s32 $0x0  }
.LBB2_4:
0x13: {  	s10 =	sshra.s32 s9, $0x2  }
0x14: {  	v2 =	vld [tilespmem:s10+$0x2780];
	_ =	sdelay $0x7  }
0x15: {  	[tilespmem:v2+s2+$0x0] =	vst.idx.add.f32.msk $0xffff, v1  }
0x16: {  	v2 =	vld [tilespmem:s10+$0x2790];
	_ =	sdelay $0x7  }
0x17: {  	[tilespmem:v2+s2+$0x0] =	vst.idx.add.f32.msk $0xffff, v1  }
0x18: {  	v2 =	vld [tilespmem:s10+$0x27A0];
	_ =	sdelay $0x7  }
0x19: {  	[tilespmem:v2+s2+$0x0] =	vst.idx.add.f32.msk $0xffff, v1  }
0x1a: {  	v2 =	vld [tilespmem:s10+$0x27B0];
	_ =	sdelay $0x7  }
0x1b: {  	[tilespmem:v2+s2+$0x0] =	vst.idx.add.f32.msk $0xffff, v1  }
0x1c: {  	v2 =	vld [tilespmem:s10+$0x27C0];
	_ =	sdelay $0x7  }
0x1d: {  	[tilespmem:v2+s2+$0x0] =	vst.idx.add.f32.msk $0xffff, v1  }
0x1e: {  	v2 =	vld [tilespmem:s10+$0x27D0];
	_ =	sdelay $0x7  }
0x1f: {  	[tilespmem:v2+s2+$0x0] =	vst.idx.add.f32.msk $0xffff, v1  }
0x20: {  	v2 =	vld [tilespmem:s10+$0x27E0];
	_ =	sdelay $0x7  }
0x21: {  	[tilespmem:v2+s2+$0x0] =	vst.idx.add.f32.msk $0xffff, v1  }
0x22: {  	v2 =	vld [tilespmem:s10+$0x27F0];
	_ =	sdelay $0x2  }
0x23: {  	p0 =	sne.s32 s9, $0x9E00  }
.Ltmp1:
0x24: {  	_ = 	snop;
	(pc) =	sbr.rel @p0 .LBB2_4-.Ltmp1, $2  }
0x25: {  	_ =	sdelay $0x2  }
0x26: {  	s9 =	sadd.s32 $0x200, s9;
	[tilespmem:v2+s2+$0x0] =	vst.idx.add.f32.msk $0xffff, v1  }
0x27: {  	s8 =	sadd.s32 $0x1, s8  }
0x28: {  	p0 =	sne.s32 s8, s5  }
.Ltmp2:
0x29: {  	_ = 	snop;
	(pc) =	sbr.rel @p0 .LBB2_1-.Ltmp2, $4  }
0x2a: {  	[hbm4b:s4+s2] =	stream.linear.scatter [tilespmem:s2], [sflag:$0x1], $0x2780, $0x38;
	[tilespmem:$0x4F80] =	vst v63  }
0x2b: {  	_ =	swait.ge [sflag:s7], $0x2780  }
0x2c: {  	[sflag:s7] =	ssyncset.done $0x0  }
0x2d: {  	[sflag:s7] =	ssyncadd.s32 $0xFFFFD880  }
0x2e: {  	_ =	sfence.sel $0x180000  }
0x2f: {  	[bflag:$0x0] =	sbarrier.arrive $0xFFFF  }
0x30: {  	p0 =	sne.s32 s0, $0x0;
	_ =	strace $0x90000047  }
0x31: {  	s0 =	sadd.s32 @!p0 $0x100000, s1;
	[bflag:$0x2] =	sbarrier.arrive $0xFFFF  }
0x32: {  	[sflag:s0] =	ssyncadd.tile.s32 @!p0 $0x1;
	_ =	shalt  }
.Lfunc_end2:
_tile_overlayer_lowered:
.L_overlay_start_2:
0x33: {  	(tag) =	ssettag $0x2  }
0x34: {  	s0 =	rddreg [dreg:$0x0];
	s2 =	stileid.u32  }
0x35: {  	s1 =	rddreg [dreg:$0x1];
	p0 =	sne.s32 s2, $0x0  }
0x36: {  	s3 =	rddreg [dreg:$0x2];
	[bflag:$0x3] =	sbarrier.arrive $0xFFFF;
	s2 =	simm.s32 @!p0 $0x1C01  }
0x37: {  	[timem:s3], [sflag:s2] =	dma.local @!p0 [hbm:s0], s1  }
0x38: {  	s0 =	simm.s32 @!p0 $0x1  }
0x39: {  	_ =	swait.ge @!p0 [sflag:s0], s1  }
0x3a: {  	s1 =	ssub.s32 @!p0 $0x0, s1;
	[sflag:s0] =	ssyncset.done @!p0 $0x0  }
0x3b: {  	[sflag:s0] =	ssyncadd.s32 @!p0 s1  }
0x3c: {  	[bflag:$0x3] =	sbarrier.arrive $0xFFFF  }
0x3d: {  	_ =	shalt  }

</sc_bundles>
